<compile_context>
chip_gen: v7x
topology: tpu7x:2x2x1
jax: 0.10.2.dev20260603
libtpu: 0.0.44.dev20260713+nightly
codegen_flags: <defaults>
</compile_context>

<pallas_src>
import functools

import numpy as np

import jax
import jax.numpy as jnp
from jax import lax
from jax.experimental import pallas as pl
from jax.experimental.pallas import tpu as pltpu
from jax.experimental.pallas import tpu_sc as plsc

NC = 2
NS = 16
NW = NC * NS
L = 16


def _round_up(x, m):
    return (x + m - 1) // m * m


def _make_deg_kernel(epw, npad):
    mesh = plsc.VectorSubcoreMesh(core_axis_name="c", subcore_axis_name="s")

    @functools.partial(
        pl.kernel,
        mesh=mesh,
        out_type=jax.ShapeDtypeStruct((NW, npad), jnp.float32),
        compiler_params=pltpu.CompilerParams(needs_layout_passes=False),
        scratch_types=[
            pltpu.VMEM((epw,), jnp.int32),
            pltpu.VMEM((npad,), jnp.float32),
        ],
    )
    def deg_kernel(dst_hbm, out_hbm, idx_v, acc_v):
        wid = lax.axis_index("c") * NS + lax.axis_index("s")
        base = wid * epw
        pltpu.sync_copy(dst_hbm.at[pl.ds(base, epw)], idx_v)

        def zero_body(i, c):
            acc_v[pl.ds(pl.multiple_of(i * L, L), L)] = jnp.zeros((L,), jnp.float32)
            return c

        lax.fori_loop(0, npad // L, zero_body, 0)

        ones = jnp.ones((L,), jnp.float32)

        def body(i, c):
            idx = idx_v[pl.ds(pl.multiple_of(i * L, L), L)]
            plsc.addupdate_scatter(acc_v, [idx], ones)
            return c

        lax.fori_loop(0, epw // L, body, 0)
        pltpu.sync_copy(acc_v, out_hbm.at[wid])

    return deg_kernel


def _make_edge_kernel(epw, npad):
    mesh = plsc.VectorSubcoreMesh(core_axis_name="c", subcore_axis_name="s")

    @functools.partial(
        pl.kernel,
        mesh=mesh,
        out_type=(
            jax.ShapeDtypeStruct((NW, npad), jnp.float32),
            jax.ShapeDtypeStruct((NW, npad), jnp.float32),
        ),
        compiler_params=pltpu.CompilerParams(needs_layout_passes=False),
        scratch_types=[
            pltpu.VMEM((epw,), jnp.int32),
            pltpu.VMEM((epw,), jnp.int32),
            pltpu.VMEM((npad,), jnp.float32),
            pltpu.VMEM((npad,), jnp.float32),
            pltpu.VMEM((npad,), jnp.float32),
            pltpu.VMEM((npad,), jnp.float32),
        ],
    )
    def edge_kernel(src_hbm, dst_hbm, a1_hbm, a2_hbm, out1_hbm, out2_hbm,
                    src_v, dst_v, a1_v, a2_v, acc1_v, acc2_v):
        wid = lax.axis_index("c") * NS + lax.axis_index("s")
        base = wid * epw
        pltpu.sync_copy(src_hbm.at[pl.ds(base, epw)], src_v)
        pltpu.sync_copy(dst_hbm.at[pl.ds(base, epw)], dst_v)
        pltpu.sync_copy(a1_hbm, a1_v)
        pltpu.sync_copy(a2_hbm, a2_v)

        def zero_body(i, c):
            z = jnp.zeros((L,), jnp.float32)
            off = pl.ds(pl.multiple_of(i * L, L), L)
            acc1_v[off] = z
            acc2_v[off] = z
            return c

        lax.fori_loop(0, npad // L, zero_body, 0)

        def body(i, c):
            off = pl.ds(pl.multiple_of(i * L, L), L)
            s = src_v[off]
            d = dst_v[off]
            v1 = plsc.load_gather(a1_v, [s])
            v2 = plsc.load_gather(a2_v, [s])
            plsc.addupdate_scatter(acc1_v, [d], v1)
            plsc.addupdate_scatter(acc2_v, [d], v2)
            return c

        lax.fori_loop(0, epw // L, body, 0)
        pltpu.sync_copy(acc1_v, out1_hbm.at[wid])
        pltpu.sync_copy(acc2_v, out2_hbm.at[wid])

    return edge_kernel


def _bf(x):
    return x.astype(jnp.bfloat16).astype(jnp.float32)


def _h1_body(state_ref, wt_ref, out_ref):
    out_ref[...] = jnp.sum(_bf(state_ref[...]) * _bf(wt_ref[...]),
                           axis=1, keepdims=True)


def _run_h1(state, w_col):
    n, f = state.shape
    rb = 1000 if n % 1000 == 0 else n
    grid = n // rb
    return pl.pallas_call(
        _h1_body,
        grid=(grid,),
        in_specs=[
            pl.BlockSpec((rb, f), lambda i: (i, 0)),
            pl.BlockSpec((1, f), lambda i: (0, 0)),
        ],
        out_specs=pl.BlockSpec((rb, 1), lambda i: (i, 0)),
        out_shape=jax.ShapeDtypeStruct((n, 1), jnp.float32),
    )(state, w_col.reshape(1, f))


def _tables_body(wedge_ref, degp_ref, h1_ref, m_ref, s_ref, c_ref,
                 a1_ref, a2_ref, sl1_ref, sl2_ref, dinv_ref):
    deg = 1.0 + jnp.sum(degp_ref[...], axis=0)
    dinv = lax.rsqrt(deg)
    dinv2 = 1.0 / deg
    h1 = h1_ref[...]
    w0 = wedge_ref[0].astype(jnp.bfloat16).astype(jnp.float32)
    w1 = wedge_ref[1].astype(jnp.bfloat16).astype(jnp.float32)
    w2 = wedge_ref[2].astype(jnp.bfloat16).astype(jnp.float32)
    h2 = (_bf(m_ref[...]) * w0 + _bf(s_ref[...]) * w1 + _bf(c_ref[...]) * w2)
    a1_ref[...] = dinv * h1
    a2_ref[...] = dinv * h2
    sl1_ref[...] = dinv2 * h1
    sl2_ref[...] = dinv2 * h2
    dinv_ref[...] = dinv


def _run_tables(w_edge, deg_parts, h1p, massp, spinp, chargep, npad):
    rows = npad // 128
    rb = 8
    grid = rows // rb
    vec = jax.ShapeDtypeStruct((rows, 128), jnp.float32)
    blk = pl.BlockSpec((rb, 128), lambda i: (i, 0))
    return pl.pallas_call(
        _tables_body,
        grid=(grid,),
        in_specs=[
            pl.BlockSpec(memory_space=pltpu.SMEM),
            pl.BlockSpec((NW, rb, 128), lambda i: (0, i, 0)),
            blk, blk, blk, blk,
        ],
        out_specs=[blk, blk, blk, blk, blk],
        out_shape=[vec, vec, vec, vec, vec],
    )(w_edge, deg_parts, h1p, massp, spinp, chargep)


_NQ = 8


def _finish_body(bias_ref, qw_ref, out1_ref, out2_ref, dinv_ref,
                 sl1_ref, sl2_ref, w1_ref, w2_ref, y_ref, acc_ref):
    i = pl.program_id(0)
    nsteps = pl.num_programs(0)

    @pl.when(i == 0)
    def _():
        for j in range(8):
            acc_ref[j] = 0.0

    b_gcn_node = bias_ref[0]
    b_gcn_edge = bias_ref[1]
    g1 = _bf(dinv_ref[...] * jnp.sum(out1_ref[...], axis=0) + sl1_ref[...] + b_gcn_node)
    g2 = _bf(dinv_ref[...] * jnp.sum(out2_ref[...], axis=0) + sl2_ref[...] + b_gcn_edge)
    for j in range(4):
        acc_ref[j] = acc_ref[j] + jnp.sum(_bf(w1_ref[j]) * g1)
    for j in range(2):
        acc_ref[4 + j] = acc_ref[4 + j] + jnp.sum(_bf(w2_ref[j]) * g2)

    @pl.when(i == nsteps - 1)
    def _():
        for j in range(4):
            y_ref[j] = acc_ref[j] + bias_ref[2 + j]
        for j in range(2):
            y_ref[4 + j] = acc_ref[4 + j] + bias_ref[6 + j]
        y_ref[6] = bias_ref[8]
        y_ref[7] = bias_ref[9]


def _run_finish(bias, qw, out1, out2, dinv, sl1, sl2, w1p, w2p, npad):
    rows = npad // 128
    rb = 8
    grid = rows // rb
    blk = pl.BlockSpec((rb, 128), lambda i: (i, 0))
    return pl.pallas_call(
        _finish_body,
        grid=(grid,),
        in_specs=[
            pl.BlockSpec(memory_space=pltpu.SMEM),
            pl.BlockSpec(memory_space=pltpu.SMEM),
            pl.BlockSpec((NW, rb, 128), lambda i: (0, i, 0)),
            pl.BlockSpec((NW, rb, 128), lambda i: (0, i, 0)),
            blk, blk, blk,
            pl.BlockSpec((4, rb, 128), lambda i: (0, i, 0)),
            pl.BlockSpec((2, rb, 128), lambda i: (0, i, 0)),
        ],
        out_specs=pl.BlockSpec(memory_space=pltpu.SMEM),
        out_shape=jax.ShapeDtypeStruct((8,), jnp.float32),
        scratch_shapes=[pltpu.SMEM((8,), jnp.float32)],
    )(bias, qw, out1, out2, dinv, sl1, sl2, w1p, w2p)


def kernel(state, edge_index, mass, spin, charge, p_norm, theta,
           W_gcn_node, b_gcn_node, W_gcn_edge, b_gcn_edge,
           W_node_emb, b_node_emb, W_edge_emb, b_edge_emb, qnn_weights):
    n, f = state.shape
    e = edge_index.shape[1]
    npad = _round_up(n + 1, 1024)
    epad = _round_up(e, NW * L)
    epw = epad // NW

    src = edge_index[0].astype(jnp.int32)
    dst = edge_index[1].astype(jnp.int32)
    if epad != e:
        fill = jnp.full((epad - e,), n, jnp.int32)
        src = jnp.concatenate([src, fill])
        dst = jnp.concatenate([dst, fill])

    deg_parts = _make_deg_kernel(epw, npad)(dst)

    h1 = _run_h1(state, W_gcn_node.reshape(f)).reshape(n)

    def padv(v):
        return jnp.pad(v, (0, npad - n)).reshape(npad // 128, 128)

    a1, a2, sl1, sl2, dinv = _run_tables(
        W_gcn_edge.reshape(3), deg_parts.reshape(NW, npad // 128, 128),
        padv(h1), padv(mass), padv(spin), padv(charge), npad)

    out1, out2 = _make_edge_kernel(epw, npad)(
        src, dst, a1.reshape(npad), a2.reshape(npad))

    bias = jnp.concatenate([
        b_gcn_node.reshape(1), b_gcn_edge.reshape(1),
        b_node_emb.reshape(4), b_edge_emb.reshape(2),
        p_norm.reshape(1), theta.reshape(1)]).astype(jnp.float32)

    w1p = jnp.pad(W_node_emb, ((0, 0), (0, npad - n))).reshape(4, npad // 128, 128)
    w2p = jnp.pad(W_edge_emb, ((0, 0), (0, npad - n))).reshape(2, npad // 128, 128)

    feats = _run_finish(bias, qnn_weights.astype(jnp.float32),
                        out1.reshape(NW, npad // 128, 128),
                        out2.reshape(NW, npad // 128, 128),
                        dinv, sl1, sl2, w1p, w2p, npad)
    return _statevector_head(feats, qnn_weights)


def _sv_1q(state, gate, wire):
    state = jnp.tensordot(gate, state, axes=((1,), (wire,)))
    return jnp.moveaxis(state, 0, wire)


def _sv_cnot(state, ctrl, tgt):
    cnot = jnp.array([[1, 0, 0, 0], [0, 1, 0, 0], [0, 0, 0, 1], [0, 0, 1, 0]],
                     dtype=jnp.complex64).reshape(2, 2, 2, 2)
    state = jnp.tensordot(cnot, state, axes=((2, 3), (ctrl, tgt)))
    return jnp.moveaxis(state, (0, 1), (ctrl, tgt))


def _sv_rz(theta):
    e_m = jnp.exp(-0.5j * theta.astype(jnp.complex64))
    e_p = jnp.exp(0.5j * theta.astype(jnp.complex64))
    zero = jnp.zeros((), jnp.complex64)
    return jnp.stack([jnp.stack([e_m, zero]), jnp.stack([zero, e_p])])


def _sv_rx(theta):
    c = jnp.cos(theta / 2).astype(jnp.complex64)
    s = (-1j) * jnp.sin(theta / 2).astype(jnp.complex64)
    return jnp.stack([jnp.stack([c, s]), jnp.stack([s, c])])


def _statevector_head(features, weights):
    n = _NQ
    state = jnp.zeros((2,) * n, jnp.complex64).at[(0,) * n].set(1.0)
    H = jnp.array([[1.0, 1.0], [1.0, -1.0]], jnp.complex64) / np.sqrt(2.0)
    for i in range(n):
        state = _sv_1q(state, H, i)
    for i in range(n):
        state = _sv_1q(state, _sv_rz(features[i]), i)
    for i in range(n):
        state = _sv_cnot(state, i, (i + 1) % n)
    for b in range(weights.shape[0]):
        w = weights[b]
        for j in range(3):
            for i in range(n):
                state = _sv_1q(state, _sv_rx(w[i, j]), i)
                state = _sv_1q(state, _sv_rz(w[i, j]), i)
            for i in range(n):
                state = _sv_cnot(state, i, (i + 1) % n)
    probs = jnp.abs(state.reshape(2, -1)) ** 2
    return jnp.sum(probs[0]) - jnp.sum(probs[1])

# --- scband reference (transcript-rebuilt; emitter-appended) ---
"""Pipeline reference for scband-hybrid-qgnn-model-63866163692279 (READ-ONLY COPY).

The authoritative reference and input builder live on the scoring server;
editing this copy changes nothing except your own understanding.
"""

import jax, jax.numpy as jnp
import numpy as np

N_QUBITS = 8
N_LAYER = 3


def _apply_1q(state, gate, wire):
    state = jnp.tensordot(gate, state, axes=((1,), (wire,)))
    return jnp.moveaxis(state, 0, wire)


def _apply_cnot(state, ctrl, tgt):
    cnot = jnp.array([[1, 0, 0, 0], [0, 1, 0, 0], [0, 0, 0, 1], [0, 0, 1, 0]], dtype=jnp.complex64).reshape(2, 2, 2, 2)
    state = jnp.tensordot(cnot, state, axes=((2, 3), (ctrl, tgt)))
    return jnp.moveaxis(state, (0, 1), (ctrl, tgt))


def _rz(theta):
    e_m = jnp.exp(-0.5j * theta.astype(jnp.complex64))
    e_p = jnp.exp(0.5j * theta.astype(jnp.complex64))
    zero = jnp.zeros((), jnp.complex64)
    return jnp.stack([jnp.stack([e_m, zero]), jnp.stack([zero, e_p])])


def _rx(theta):
    c = jnp.cos(theta / 2).astype(jnp.complex64)
    s = (-1j) * jnp.sin(theta / 2).astype(jnp.complex64)
    return jnp.stack([jnp.stack([c, s]), jnp.stack([s, c])])


def _qnn_circuit(features, weights):
    n = N_QUBITS
    state = jnp.zeros((2,) * n, jnp.complex64).at[(0,) * n].set(1.0)
    H = jnp.array([[1.0, 1.0], [1.0, -1.0]], jnp.complex64) / np.sqrt(2.0)
    # feature_map: Hadamards + BasicEntanglerLayers(rotation=RZ) on the feature vector
    for i in range(n):
        state = _apply_1q(state, H, i)
    for i in range(n):
        state = _apply_1q(state, _rz(features[i]), i)
    for i in range(n):
        state = _apply_cnot(state, i, (i + 1) % n)
    # ansatz blocks: weights shape (2, n_qubits, n_layer); RX+RZ per qubit then CNOT ring per layer
    for b in range(weights.shape[0]):
        w = weights[b]
        for j in range(N_LAYER):
            for i in range(n):
                state = _apply_1q(state, _rx(w[i, j]), i)
                state = _apply_1q(state, _rz(w[i, j]), i)
            for i in range(n):
                state = _apply_cnot(state, i, (i + 1) % n)
    probs = jnp.abs(state.reshape(2, -1)) ** 2
    return jnp.sum(probs[0]) - jnp.sum(probs[1])  # <Z_0>


def _gcn(x, W, b, edge_index, num_nodes):
    # GCNConv with self-loops and symmetric normalization, transform-then-propagate
    loop = jnp.arange(num_nodes, dtype=edge_index.dtype)
    src = jnp.concatenate([edge_index[0], loop])
    dst = jnp.concatenate([edge_index[1], loop])
    deg = jnp.zeros((num_nodes,), jnp.float32).at[dst].add(1.0)
    dinv = 1.0 / jnp.sqrt(deg)
    norm = dinv[src] * dinv[dst]
    h = x @ W
    out = jnp.zeros((num_nodes, h.shape[1]), jnp.float32).at[dst].add(norm[:, None] * h[src])
    return out + b


def setup_inputs(seed: int = 0) -> dict:
    key = jax.random.key(seed)
    ks = jax.random.split(key, 16)
    N, E, F = 10000, 320000, 128
    node_emb, edge_emb = 4, 2
    return {
        'state': jax.random.normal(ks[0], (N, F), jnp.float32),
        'edge_index': jax.random.randint(ks[1], (2, E), 0, N, jnp.int64 if jax.config.jax_enable_x64 else jnp.int32).astype(jnp.int32),
        'mass': jax.random.normal(ks[2], (N,), jnp.float32),
        'spin': jax.random.normal(ks[3], (N,), jnp.float32),
        'charge': jax.random.normal(ks[4], (N,), jnp.float32),
        'p_norm': jax.random.normal(ks[5], (1,), jnp.float32),
        'theta': jax.random.normal(ks[6], (1,), jnp.float32),
        'W_gcn_node': jax.random.normal(ks[7], (F, 1), jnp.float32) * 0.05,
        'b_gcn_node': jnp.zeros((1,), jnp.float32),
        'W_gcn_edge': jax.random.normal(ks[8], (3, 1), jnp.float32) * 0.05,
        'b_gcn_edge': jnp.zeros((1,), jnp.float32),
        'W_node_emb': jax.random.normal(ks[9], (node_emb, N), jnp.float32) * 0.01,
        'b_node_emb': jnp.zeros((node_emb,), jnp.float32),
        'W_edge_emb': jax.random.normal(ks[10], (edge_emb, N), jnp.float32) * 0.01,
        'b_edge_emb': jnp.zeros((edge_emb,), jnp.float32),
        'qnn_weights': jax.random.normal(ks[11], (2, N_QUBITS, N_LAYER), jnp.float32) * 0.1,
    }


def reference(state, edge_index, mass, spin, charge, p_norm, theta, W_gcn_node, b_gcn_node, W_gcn_edge, b_gcn_edge, W_node_emb, b_node_emb, W_edge_emb, b_edge_emb, qnn_weights):
    N = state.shape[0]
    x_edges = jnp.stack([mass, spin, charge], axis=1)
    x1 = _gcn(state, W_gcn_node, b_gcn_node, edge_index, N).reshape(-1, N)
    x1 = x1 @ W_node_emb.T + b_node_emb
    x2 = _gcn(x_edges, W_gcn_edge, b_gcn_edge, edge_index, N).reshape(-1, N)
    x2 = x2 @ W_edge_emb.T + b_edge_emb
    features = jnp.concatenate([x1.reshape(-1), x2.reshape(-1), p_norm.reshape(-1), theta.reshape(-1)])
    y = _qnn_circuit(features, qnn_weights)
    return y

if __name__ == "__main__":
    import jax
    _d = setup_inputs()
    print(jax.jit(kernel)(*tuple(_d.values())))

</pallas_src>

<mosaic_0001>
#map = affine_map<(d0, d1) -> (0)>
#map1 = affine_map<(d0, d1) -> (0, 0)>
module attributes {stable_mosaic.version = 14 : i64} {
  func.func @deg_kernel(%arg0: i32, %arg1: i32, %arg2: memref<320000xi32, #tpu.memory_space<hbm>>, %arg3: memref<32x10240xf32, #tpu.memory_space<hbm>>, %arg4: memref<10000xi32, #tpu.memory_space<vmem>>, %arg5: memref<10240xf32, #tpu.memory_space<vmem>>) attributes {dimension_semantics = [#tpu.dimension_semantics<core_parallel>, #tpu.dimension_semantics<subcore_parallel>], iteration_bounds = array<i64: 2, 16>, scalar_prefetch = 0 : i64, scratch_operands = 2 : i64, tpu.core_type = #tpu.core_type<sc_vector_subcore>, window_params = [{transform_indices = #map}, {transform_indices = #map1}]} {
    %mul3A = arith.constant 16 : i32
    %mul3A_0 = arith.muli %arg0, %mul3A : i32
    %add3A = arith.addi %mul3A_0, %arg1 : i32
    %mul3A_1 = arith.constant 10000 : i32
    %mul3A_2 = arith.muli %add3A, %mul3A_1 : i32
    "tpu.region"() ({
      %run_scoped3A = tpu.sem_alloc : memref<!tpu.dma_semaphore, #tpu.memory_space<semaphore_mem>>
      %dma_start3A = tpu.memref_slice %arg2[%mul3A_2] : memref<320000xi32, #tpu.memory_space<hbm>> -> memref<10000xi32, #tpu.memory_space<hbm>>
      %dma_start3A_15 = tpu.memref_slice %arg2[%mul3A_2] : memref<320000xi32, #tpu.memory_space<hbm>> -> memref<10000xi32, #tpu.memory_space<hbm>>
      tpu.enqueue_dma source(%dma_start3A_15 : memref<10000xi32, #tpu.memory_space<hbm>>) target(%arg4 : memref<10000xi32, #tpu.memory_space<vmem>>) target_semaphore(%run_scoped3A : memref<!tpu.dma_semaphore, #tpu.memory_space<semaphore_mem>>)
      %dma_wait3A = tpu.memref_slice %arg2[%mul3A_2] : memref<320000xi32, #tpu.memory_space<hbm>> -> memref<10000xi32, #tpu.memory_space<hbm>>
      %dma_wait3A_16 = tpu.memref_slice %arg2[%mul3A_2] : memref<320000xi32, #tpu.memory_space<hbm>> -> memref<10000xi32, #tpu.memory_space<hbm>>
      tpu.wait_dma2 semaphore(%run_scoped3A : memref<!tpu.dma_semaphore, #tpu.memory_space<semaphore_mem>>) src(%dma_wait3A_16 : memref<10000xi32, #tpu.memory_space<hbm>>) dst(%arg4 : memref<10000xi32, #tpu.memory_space<vmem>>)
      tpu.yield
    }) : () -> ()
    %scan3A = arith.constant 0 : i32
    %scan3A_3 = arith.constant 0 : i32
    %scan3A_4 = arith.constant 640 : i32
    %scan3A_5 = arith.addi %scan3A_3, %scan3A_4 : i32
    %scan3A_6 = arith.constant 1 : i32
    scf.for %scan3A_15 = %scan3A_3 to %scan3A_5 step %scan3A_6  : i32 {
      %broadcast_in_dim3A_16 = arith.constant 0.000000e+00 : f32
      %broadcast_in_dim3A_17 = vector.broadcast %broadcast_in_dim3A_16 : f32 to vector<16xf32>
      %mul3A_18 = arith.constant 16 : i32
      %mul3A_19 = arith.muli %scan3A_15, %mul3A_18 : i32
      %multiple_of3A = tpu.assume_multiple %mul3A_19, 16 : i32
      %swap3A = arith.index_cast %multiple_of3A : i32 to index
      %swap3A_20 = tpu.vector_load %arg5[%swap3A] {strides = array<i32>} : memref<10240xf32, #tpu.memory_space<vmem>>, vector<16xf32>,
      tpu.vector_store %arg5[%swap3A], %broadcast_in_dim3A_17 {strides = array<i32>} : memref<10240xf32, #tpu.memory_space<vmem>>, vector<16xf32>,
    }
    %scan3A_7 = arith.constant 640 : i32
    %broadcast_in_dim3A = arith.constant 1.000000e+00 : f32
    %broadcast_in_dim3A_8 = vector.broadcast %broadcast_in_dim3A : f32 to vector<16xf32>
    %scan3A_9 = arith.constant 0 : i32
    %scan3A_10 = arith.constant 0 : i32
    %scan3A_11 = arith.constant 625 : i32
    %scan3A_12 = arith.addi %scan3A_10, %scan3A_11 : i32
    %scan3A_13 = arith.constant 1 : i32
    scf.for %scan3A_15 = %scan3A_10 to %scan3A_12 step %scan3A_13  : i32 {
      %mul3A_16 = arith.constant 16 : i32
      %mul3A_17 = arith.muli %scan3A_15, %mul3A_16 : i32
      %multiple_of3A = tpu.assume_multiple %mul3A_17, 16 : i32
      %get3A = arith.index_cast %multiple_of3A : i32 to index
      %get3A_18 = tpu.vector_load %arg4[%get3A] {strides = array<i32>} : memref<10000xi32, #tpu.memory_space<vmem>>, vector<16xi32>,
      tpu.vector_store_idx %arg5[%get3A_18], %broadcast_in_dim3A_8 {add = true} : memref<10240xf32, #tpu.memory_space<vmem>>[vector<16xi32>], vector<16xf32>,
    }
    %scan3A_14 = arith.constant 625 : i32
    "tpu.region"() ({
      %run_scoped3A = tpu.sem_alloc : memref<!tpu.dma_semaphore, #tpu.memory_space<semaphore_mem>>
      %dma_start3A = arith.constant 0 : i32
      %dma_start3A_15 = tpu.memref_slice %arg3[%add3A, %dma_start3A] : memref<32x10240xf32, #tpu.memory_space<hbm>> -> memref<1x10240xf32, #tpu.memory_space<hbm>>
      %dma_start3A_16 = tpu.memref_squeeze %dma_start3A_15 : memref<1x10240xf32, #tpu.memory_space<hbm>> -> memref<10240xf32, #tpu.memory_space<hbm>>
      %dma_start3A_17 = arith.constant 0 : i32
      %dma_start3A_18 = tpu.memref_slice %arg3[%add3A, %dma_start3A_17] : memref<32x10240xf32, #tpu.memory_space<hbm>> -> memref<1x10240xf32, #tpu.memory_space<hbm>>
      %dma_start3A_19 = tpu.memref_squeeze %dma_start3A_18 : memref<1x10240xf32, #tpu.memory_space<hbm>> -> memref<10240xf32, #tpu.memory_space<hbm>>
      tpu.enqueue_dma source(%arg5 : memref<10240xf32, #tpu.memory_space<vmem>>) target(%dma_start3A_19 : memref<10240xf32, #tpu.memory_space<hbm>>) target_semaphore(%run_scoped3A : memref<!tpu.dma_semaphore, #tpu.memory_space<semaphore_mem>>)
      %dma_wait3A = arith.constant 0 : i32
      %dma_wait3A_20 = tpu.memref_slice %arg3[%add3A, %dma_wait3A] : memref<32x10240xf32, #tpu.memory_space<hbm>> -> memref<1x10240xf32, #tpu.memory_space<hbm>>
      %dma_wait3A_21 = tpu.memref_squeeze %dma_wait3A_20 : memref<1x10240xf32, #tpu.memory_space<hbm>> -> memref<10240xf32, #tpu.memory_space<hbm>>
      %dma_wait3A_22 = arith.constant 0 : i32
      %dma_wait3A_23 = tpu.memref_slice %arg3[%add3A, %dma_wait3A_22] : memref<32x10240xf32, #tpu.memory_space<hbm>> -> memref<1x10240xf32, #tpu.memory_space<hbm>>
      %dma_wait3A_24 = tpu.memref_squeeze %dma_wait3A_23 : memref<1x10240xf32, #tpu.memory_space<hbm>> -> memref<10240xf32, #tpu.memory_space<hbm>>
      tpu.wait_dma2 semaphore(%run_scoped3A : memref<!tpu.dma_semaphore, #tpu.memory_space<semaphore_mem>>) src(%arg5 : memref<10240xf32, #tpu.memory_space<vmem>>) dst(%dma_wait3A_24 : memref<10240xf32, #tpu.memory_space<hbm>>)
      tpu.yield
    }) : () -> ()
    return
  }
}

#map = affine_map<(d0, d1) -> (0)>
#map1 = affine_map<(d0, d1) -> (0, 0)>
module attributes {stable_mosaic.version = 14 : i64} {
  func.func @edge_kernel(%arg0: i32, %arg1: i32, %arg2: memref<320000xi32, #tpu.memory_space<hbm>>, %arg3: memref<320000xi32, #tpu.memory_space<hbm>>, %arg4: memref<10240xf32, #tpu.memory_space<hbm>>, %arg5: memref<10240xf32, #tpu.memory_space<hbm>>, %arg6: memref<32x10240xf32, #tpu.memory_space<hbm>>, %arg7: memref<32x10240xf32, #tpu.memory_space<hbm>>, %arg8: memref<10000xi32, #tpu.memory_space<vmem>>, %arg9: memref<10000xi32, #tpu.memory_space<vmem>>, %arg10: memref<10240xf32, #tpu.memory_space<vmem>>, %arg11: memref<10240xf32, #tpu.memory_space<vmem>>, %arg12: memref<10240xf32, #tpu.memory_space<vmem>>, %arg13: memref<10240xf32, #tpu.memory_space<vmem>>) attributes {dimension_semantics = [#tpu.dimension_semantics<core_parallel>, #tpu.dimension_semantics<subcore_parallel>], iteration_bounds = array<i64: 2, 16>, scalar_prefetch = 0 : i64, scratch_operands = 6 : i64, tpu.core_type = #tpu.core_type<sc_vector_subcore>, window_params = [{transform_indices = #map}, {transform_indices = #map}, {transform_indices = #map}, {transform_indices = #map}, {transform_indices = #map1}, {transform_indices = #map1}]} {
    %mul3A = arith.constant 16 : i32
    %mul3A_0 = arith.muli %arg0, %mul3A : i32
    %add3A = arith.addi %mul3A_0, %arg1 : i32
    %mul3A_1 = arith.constant 10000 : i32
    %mul3A_2 = arith.muli %add3A, %mul3A_1 : i32
    "tpu.region"() ({
      %run_scoped3A = tpu.sem_alloc : memref<!tpu.dma_semaphore, #tpu.memory_space<semaphore_mem>>
      %dma_start3A = tpu.memref_slice %arg2[%mul3A_2] : memref<320000xi32, #tpu.memory_space<hbm>> -> memref<10000xi32, #tpu.memory_space<hbm>>
      %dma_start3A_14 = tpu.memref_slice %arg2[%mul3A_2] : memref<320000xi32, #tpu.memory_space<hbm>> -> memref<10000xi32, #tpu.memory_space<hbm>>
      tpu.enqueue_dma source(%dma_start3A_14 : memref<10000xi32, #tpu.memory_space<hbm>>) target(%arg8 : memref<10000xi32, #tpu.memory_space<vmem>>) target_semaphore(%run_scoped3A : memref<!tpu.dma_semaphore, #tpu.memory_space<semaphore_mem>>)
      %dma_wait3A = tpu.memref_slice %arg2[%mul3A_2] : memref<320000xi32, #tpu.memory_space<hbm>> -> memref<10000xi32, #tpu.memory_space<hbm>>
      %dma_wait3A_15 = tpu.memref_slice %arg2[%mul3A_2] : memref<320000xi32, #tpu.memory_space<hbm>> -> memref<10000xi32, #tpu.memory_space<hbm>>
      tpu.wait_dma2 semaphore(%run_scoped3A : memref<!tpu.dma_semaphore, #tpu.memory_space<semaphore_mem>>) src(%dma_wait3A_15 : memref<10000xi32, #tpu.memory_space<hbm>>) dst(%arg8 : memref<10000xi32, #tpu.memory_space<vmem>>)
      tpu.yield
    }) : () -> ()
    "tpu.region"() ({
      %run_scoped3A = tpu.sem_alloc : memref<!tpu.dma_semaphore, #tpu.memory_space<semaphore_mem>>
      %dma_start3A = tpu.memref_slice %arg3[%mul3A_2] : memref<320000xi32, #tpu.memory_space<hbm>> -> memref<10000xi32, #tpu.memory_space<hbm>>
      %dma_start3A_14 = tpu.memref_slice %arg3[%mul3A_2] : memref<320000xi32, #tpu.memory_space<hbm>> -> memref<10000xi32, #tpu.memory_space<hbm>>
      tpu.enqueue_dma source(%dma_start3A_14 : memref<10000xi32, #tpu.memory_space<hbm>>) target(%arg9 : memref<10000xi32, #tpu.memory_space<vmem>>) target_semaphore(%run_scoped3A : memref<!tpu.dma_semaphore, #tpu.memory_space<semaphore_mem>>)
      %dma_wait3A = tpu.memref_slice %arg3[%mul3A_2] : memref<320000xi32, #tpu.memory_space<hbm>> -> memref<10000xi32, #tpu.memory_space<hbm>>
      %dma_wait3A_15 = tpu.memref_slice %arg3[%mul3A_2] : memref<320000xi32, #tpu.memory_space<hbm>> -> memref<10000xi32, #tpu.memory_space<hbm>>
      tpu.wait_dma2 semaphore(%run_scoped3A : memref<!tpu.dma_semaphore, #tpu.memory_space<semaphore_mem>>) src(%dma_wait3A_15 : memref<10000xi32, #tpu.memory_space<hbm>>) dst(%arg9 : memref<10000xi32, #tpu.memory_space<vmem>>)
      tpu.yield
    }) : () -> ()
    "tpu.region"() ({
      %run_scoped3A = tpu.sem_alloc : memref<!tpu.dma_semaphore, #tpu.memory_space<semaphore_mem>>
      tpu.enqueue_dma source(%arg4 : memref<10240xf32, #tpu.memory_space<hbm>>) target(%arg10 : memref<10240xf32, #tpu.memory_space<vmem>>) target_semaphore(%run_scoped3A : memref<!tpu.dma_semaphore, #tpu.memory_space<semaphore_mem>>)
      tpu.wait_dma2 semaphore(%run_scoped3A : memref<!tpu.dma_semaphore, #tpu.memory_space<semaphore_mem>>) src(%arg4 : memref<10240xf32, #tpu.memory_space<hbm>>) dst(%arg10 : memref<10240xf32, #tpu.memory_space<vmem>>)
      tpu.yield
    }) : () -> ()
    "tpu.region"() ({
      %run_scoped3A = tpu.sem_alloc : memref<!tpu.dma_semaphore, #tpu.memory_space<semaphore_mem>>
      tpu.enqueue_dma source(%arg5 : memref<10240xf32, #tpu.memory_space<hbm>>) target(%arg11 : memref<10240xf32, #tpu.memory_space<vmem>>) target_semaphore(%run_scoped3A : memref<!tpu.dma_semaphore, #tpu.memory_space<semaphore_mem>>)
      tpu.wait_dma2 semaphore(%run_scoped3A : memref<!tpu.dma_semaphore, #tpu.memory_space<semaphore_mem>>) src(%arg5 : memref<10240xf32, #tpu.memory_space<hbm>>) dst(%arg11 : memref<10240xf32, #tpu.memory_space<vmem>>)
      tpu.yield
    }) : () -> ()
    %scan3A = arith.constant 0 : i32
    %scan3A_3 = arith.constant 0 : i32
    %scan3A_4 = arith.constant 640 : i32
    %scan3A_5 = arith.addi %scan3A_3, %scan3A_4 : i32
    %scan3A_6 = arith.constant 1 : i32
    scf.for %scan3A_14 = %scan3A_3 to %scan3A_5 step %scan3A_6  : i32 {
      %broadcast_in_dim3A = arith.constant 0.000000e+00 : f32
      %broadcast_in_dim3A_15 = vector.broadcast %broadcast_in_dim3A : f32 to vector<16xf32>
      %mul3A_16 = arith.constant 16 : i32
      %mul3A_17 = arith.muli %scan3A_14, %mul3A_16 : i32
      %multiple_of3A = tpu.assume_multiple %mul3A_17, 16 : i32
      %swap3A = arith.index_cast %multiple_of3A : i32 to index
      %swap3A_18 = tpu.vector_load %arg12[%swap3A] {strides = array<i32>} : memref<10240xf32, #tpu.memory_space<vmem>>, vector<16xf32>,
      tpu.vector_store %arg12[%swap3A], %broadcast_in_dim3A_15 {strides = array<i32>} : memref<10240xf32, #tpu.memory_space<vmem>>, vector<16xf32>,
      %swap3A_19 = arith.index_cast %multiple_of3A : i32 to index
      %swap3A_20 = tpu.vector_load %arg13[%swap3A_19] {strides = array<i32>} : memref<10240xf32, #tpu.memory_space<vmem>>, vector<16xf32>,
      tpu.vector_store %arg13[%swap3A_19], %broadcast_in_dim3A_15 {strides = array<i32>} : memref<10240xf32, #tpu.memory_space<vmem>>, vector<16xf32>,
    }
    %scan3A_7 = arith.constant 640 : i32
    %scan3A_8 = arith.constant 0 : i32
    %scan3A_9 = arith.constant 0 : i32
    %scan3A_10 = arith.constant 625 : i32
    %scan3A_11 = arith.addi %scan3A_9, %scan3A_10 : i32
    %scan3A_12 = arith.constant 1 : i32
    scf.for %scan3A_14 = %scan3A_9 to %scan3A_11 step %scan3A_12  : i32 {
      %mul3A_15 = arith.constant 16 : i32
      %mul3A_16 = arith.muli %scan3A_14, %mul3A_15 : i32
      %multiple_of3A = tpu.assume_multiple %mul3A_16, 16 : i32
      %get3A = arith.index_cast %multiple_of3A : i32 to index
      %get3A_17 = tpu.vector_load %arg8[%get3A] {strides = array<i32>} : memref<10000xi32, #tpu.memory_space<vmem>>, vector<16xi32>,
      %get3A_18 = arith.index_cast %multiple_of3A : i32 to index
      %get3A_19 = tpu.vector_load %arg9[%get3A_18] {strides = array<i32>} : memref<10000xi32, #tpu.memory_space<vmem>>, vector<16xi32>,
      %gather3A = tpu.vector_load_idx %arg10[%get3A_17] : memref<10240xf32, #tpu.memory_space<vmem>>[vector<16xi32>], vector<16xf32>,
      %gather3A_20 = tpu.vector_load_idx %arg11[%get3A_17] : memref<10240xf32, #tpu.memory_space<vmem>>[vector<16xi32>], vector<16xf32>,
      tpu.vector_store_idx %arg12[%get3A_19], %gather3A {add = true} : memref<10240xf32, #tpu.memory_space<vmem>>[vector<16xi32>], vector<16xf32>,
      tpu.vector_store_idx %arg13[%get3A_19], %gather3A_20 {add = true} : memref<10240xf32, #tpu.memory_space<vmem>>[vector<16xi32>], vector<16xf32>,
    }
    %scan3A_13 = arith.constant 625 : i32
    "tpu.region"() ({
      %run_scoped3A = tpu.sem_alloc : memref<!tpu.dma_semaphore, #tpu.memory_space<semaphore_mem>>
      %dma_start3A = arith.constant 0 : i32
      %dma_start3A_14 = tpu.memref_slice %arg6[%add3A, %dma_start3A] : memref<32x10240xf32, #tpu.memory_space<hbm>> -> memref<1x10240xf32, #tpu.memory_space<hbm>>
      %dma_start3A_15 = tpu.memref_squeeze %dma_start3A_14 : memref<1x10240xf32, #tpu.memory_space<hbm>> -> memref<10240xf32, #tpu.memory_space<hbm>>
      %dma_start3A_16 = arith.constant 0 : i32
      %dma_start3A_17 = tpu.memref_slice %arg6[%add3A, %dma_start3A_16] : memref<32x10240xf32, #tpu.memory_space<hbm>> -> memref<1x10240xf32, #tpu.memory_space<hbm>>
      %dma_start3A_18 = tpu.memref_squeeze %dma_start3A_17 : memref<1x10240xf32, #tpu.memory_space<hbm>> -> memref<10240xf32, #tpu.memory_space<hbm>>
      tpu.enqueue_dma source(%arg12 : memref<10240xf32, #tpu.memory_space<vmem>>) target(%dma_start3A_18 : memref<10240xf32, #tpu.memory_space<hbm>>) target_semaphore(%run_scoped3A : memref<!tpu.dma_semaphore, #tpu.memory_space<semaphore_mem>>)
      %dma_wait3A = arith.constant 0 : i32
      %dma_wait3A_19 = tpu.memref_slice %arg6[%add3A, %dma_wait3A] : memref<32x10240xf32, #tpu.memory_space<hbm>> -> memref<1x10240xf32, #tpu.memory_space<hbm>>
      %dma_wait3A_20 = tpu.memref_squeeze %dma_wait3A_19 : memref<1x10240xf32, #tpu.memory_space<hbm>> -> memref<10240xf32, #tpu.memory_space<hbm>>
      %dma_wait3A_21 = arith.constant 0 : i32
      %dma_wait3A_22 = tpu.memref_slice %arg6[%add3A, %dma_wait3A_21] : memref<32x10240xf32, #tpu.memory_space<hbm>> -> memref<1x10240xf32, #tpu.memory_space<hbm>>
      %dma_wait3A_23 = tpu.memref_squeeze %dma_wait3A_22 : memref<1x10240xf32, #tpu.memory_space<hbm>> -> memref<10240xf32, #tpu.memory_space<hbm>>
      tpu.wait_dma2 semaphore(%run_scoped3A : memref<!tpu.dma_semaphore, #tpu.memory_space<semaphore_mem>>) src(%arg12 : memref<10240xf32, #tpu.memory_space<vmem>>) dst(%dma_wait3A_23 : memref<10240xf32, #tpu.memory_space<hbm>>)
      tpu.yield
    }) : () -> ()
    "tpu.region"() ({
      %run_scoped3A = tpu.sem_alloc : memref<!tpu.dma_semaphore, #tpu.memory_space<semaphore_mem>>
      %dma_start3A = arith.constant 0 : i32
      %dma_start3A_14 = tpu.memref_slice %arg7[%add3A, %dma_start3A] : memref<32x10240xf32, #tpu.memory_space<hbm>> -> memref<1x10240xf32, #tpu.memory_space<hbm>>
      %dma_start3A_15 = tpu.memref_squeeze %dma_start3A_14 : memref<1x10240xf32, #tpu.memory_space<hbm>> -> memref<10240xf32, #tpu.memory_space<hbm>>
      %dma_start3A_16 = arith.constant 0 : i32
      %dma_start3A_17 = tpu.memref_slice %arg7[%add3A, %dma_start3A_16] : memref<32x10240xf32, #tpu.memory_space<hbm>> -> memref<1x10240xf32, #tpu.memory_space<hbm>>
      %dma_start3A_18 = tpu.memref_squeeze %dma_start3A_17 : memref<1x10240xf32, #tpu.memory_space<hbm>> -> memref<10240xf32, #tpu.memory_space<hbm>>
      tpu.enqueue_dma source(%arg13 : memref<10240xf32, #tpu.memory_space<vmem>>) target(%dma_start3A_18 : memref<10240xf32, #tpu.memory_space<hbm>>) target_semaphore(%run_scoped3A : memref<!tpu.dma_semaphore, #tpu.memory_space<semaphore_mem>>)
      %dma_wait3A = arith.constant 0 : i32
      %dma_wait3A_19 = tpu.memref_slice %arg7[%add3A, %dma_wait3A] : memref<32x10240xf32, #tpu.memory_space<hbm>> -> memref<1x10240xf32, #tpu.memory_space<hbm>>
      %dma_wait3A_20 = tpu.memref_squeeze %dma_wait3A_19 : memref<1x10240xf32, #tpu.memory_space<hbm>> -> memref<10240xf32, #tpu.memory_space<hbm>>
      %dma_wait3A_21 = arith.constant 0 : i32
      %dma_wait3A_22 = tpu.memref_slice %arg7[%add3A, %dma_wait3A_21] : memref<32x10240xf32, #tpu.memory_space<hbm>> -> memref<1x10240xf32, #tpu.memory_space<hbm>>
      %dma_wait3A_23 = tpu.memref_squeeze %dma_wait3A_22 : memref<1x10240xf32, #tpu.memory_space<hbm>> -> memref<10240xf32, #tpu.memory_space<hbm>>
      tpu.wait_dma2 semaphore(%run_scoped3A : memref<!tpu.dma_semaphore, #tpu.memory_space<semaphore_mem>>) src(%arg13 : memref<10240xf32, #tpu.memory_space<vmem>>) dst(%dma_wait3A_23 : memref<10240xf32, #tpu.memory_space<hbm>>)
      tpu.yield
    }) : () -> ()
    return
  }
}

module attributes {stable_mosaic.version = 14 : i64} {
  func.func @_h1_body(%arg0: i32, %arg1: memref<1000x128xf32, #tpu.memory_space<vmem>>, %arg2: memref<1x128xf32, #tpu.memory_space<vmem>>, %arg3: memref<1000x1xf32, #tpu.memory_space<vmem>>) attributes {dimension_semantics = [#tpu.dimension_semantics<arbitrary>], iteration_bounds = array<i64: 10>, scalar_prefetch = 0 : i64, scratch_operands = 0 : i64, tpu.core_type = #tpu.core_type<tc>, window_params = [{transform_indices = @transform_0, window_bounds = array<i64: 1000, 128>}, {pipeline_mode = #tpu.pipeline_mode<synchronous>, transform_indices = @transform_1, window_bounds = array<i64: 1, 128>}, {transform_indices = @transform_2, window_bounds = array<i64: 1000, 1>}]} {
    %get3A = arith.constant 0 : index
    %get3A_0 = arith.constant 0 : index
    %get3A_1 = vector.load %arg1[%get3A, %get3A_0] : memref<1000x128xf32, #tpu.memory_space<vmem>>, vector<1000x128xf32>
    %convert_element_type3A = arith.truncf %get3A_1 : vector<1000x128xf32> to vector<1000x128xbf16>
    %convert_element_type3A_2 = arith.extf %convert_element_type3A : vector<1000x128xbf16> to vector<1000x128xf32>
    %get3A_3 = arith.constant 0 : index
    %get3A_4 = arith.constant 0 : index
    %get3A_5 = vector.load %arg2[%get3A_3, %get3A_4] : memref<1x128xf32, #tpu.memory_space<vmem>>, vector<1x128xf32>
    %convert_element_type3A_6 = arith.truncf %get3A_5 : vector<1x128xf32> to vector<1x128xbf16>
    %convert_element_type3A_7 = arith.extf %convert_element_type3A_6 : vector<1x128xbf16> to vector<1x128xf32>
    %mul3A = vector.broadcast %convert_element_type3A_7 : vector<1x128xf32> to vector<1000x128xf32>
    %mul3A_8 = arith.mulf %convert_element_type3A_2, %mul3A : vector<1000x128xf32>
    %reduce_sum3A = arith.constant dense<0.000000e+00> : vector<1000xf32>
    %reduce_sum3A_9 = vector.multi_reduction <add>, %mul3A_8, %reduce_sum3A [1] : vector<1000x128xf32> to vector<1000xf32>
    %broadcast_in_dim3A = vector.shape_cast %reduce_sum3A_9 : vector<1000xf32> to vector<1000x1xf32>
    %swap3A = arith.constant 0 : index
    %swap3A_10 = arith.constant 0 : index
    %swap3A_11 = vector.load %arg3[%swap3A, %swap3A_10] : memref<1000x1xf32, #tpu.memory_space<vmem>>, vector<1000x1xf32>
    tpu.vector_store %arg3[%swap3A, %swap3A_10], %broadcast_in_dim3A {strides = array<i32>} : memref<1000x1xf32, #tpu.memory_space<vmem>>, vector<1000x1xf32>,
    return
  }
  func.func @transform_0(%arg0: i32) -> (i32, i32) {
    %c0_i32 = arith.constant 0 : i32
    %c0_i32_0 = arith.constant 0 : i32
    return %arg0, %c0_i32 : i32, i32
  }
  func.func @transform_1(%arg0: i32) -> (i32, i32) {
    %c0_i32 = arith.constant 0 : i32
    %c0_i32_0 = arith.constant 0 : i32
    %c0_i32_1 = arith.constant 0 : i32
    return %c0_i32, %c0_i32_0 : i32, i32
  }
  func.func @transform_2(%arg0: i32) -> (i32, i32) {
    %c0_i32 = arith.constant 0 : i32
    %c0_i32_0 = arith.constant 0 : i32
    return %arg0, %c0_i32 : i32, i32
  }
}

module attributes {stable_mosaic.version = 14 : i64} {
  func.func @_tables_body(%arg0: i32, %arg1: memref<3xf32, #tpu.memory_space<smem>>, %arg2: memref<32x8x128xf32, #tpu.memory_space<vmem>>, %arg3: memref<8x128xf32, #tpu.memory_space<vmem>>, %arg4: memref<8x128xf32, #tpu.memory_space<vmem>>, %arg5: memref<8x128xf32, #tpu.memory_space<vmem>>, %arg6: memref<8x128xf32, #tpu.memory_space<vmem>>, %arg7: memref<8x128xf32, #tpu.memory_space<vmem>>, %arg8: memref<8x128xf32, #tpu.memory_space<vmem>>, %arg9: memref<8x128xf32, #tpu.memory_space<vmem>>, %arg10: memref<8x128xf32, #tpu.memory_space<vmem>>, %arg11: memref<8x128xf32, #tpu.memory_space<vmem>>) attributes {dimension_semantics = [#tpu.dimension_semantics<arbitrary>], iteration_bounds = array<i64: 10>, scalar_prefetch = 0 : i64, scratch_operands = 0 : i64, tpu.core_type = #tpu.core_type<tc>, window_params = [{transform_indices = @transform_0, window_bounds = array<i64: 3>}, {transform_indices = @transform_1, window_bounds = array<i64: 32, 8, 128>}, {transform_indices = @transform_2, window_bounds = array<i64: 8, 128>}, {transform_indices = @transform_3, window_bounds = array<i64: 8, 128>}, {transform_indices = @transform_4, window_bounds = array<i64: 8, 128>}, {transform_indices = @transform_5, window_bounds = array<i64: 8, 128>}, {transform_indices = @transform_6, window_bounds = array<i64: 8, 128>}, {transform_indices = @transform_7, window_bounds = array<i64: 8, 128>}, {transform_indices = @transform_8, window_bounds = array<i64: 8, 128>}, {transform_indices = @transform_9, window_bounds = array<i64: 8, 128>}, {transform_indices = @transform_10, window_bounds = array<i64: 8, 128>}]} {
    %get3A = arith.constant 0 : index
    %get3A_0 = arith.constant 0 : index
    %get3A_1 = arith.constant 0 : index
    %get3A_2 = vector.load %arg2[%get3A, %get3A_0, %get3A_1] : memref<32x8x128xf32, #tpu.memory_space<vmem>>, vector<32x8x128xf32>
    %reduce_sum3A = arith.constant dense<0.000000e+00> : vector<8x128xf32>
    %reduce_sum3A_3 = vector.multi_reduction <add>, %get3A_2, %reduce_sum3A [0] : vector<32x8x128xf32> to vector<8x128xf32>
    %add3A = arith.constant 1.000000e+00 : f32
    %add3A_4 = vector.broadcast %add3A : f32 to vector<8x128xf32>
    %add3A_5 = arith.addf %add3A_4, %reduce_sum3A_3 : vector<8x128xf32>
    %rsqrt3A = math.rsqrt %add3A_5 : vector<8x128xf32>
    %div3A = arith.constant 1.000000e+00 : f32
    %div3A_6 = vector.broadcast %div3A : f32 to vector<8x128xf32>
    %div3A_7 = arith.divf %div3A_6, %add3A_5 : vector<8x128xf32>
    %get3A_8 = arith.constant 0 : index
    %get3A_9 = arith.constant 0 : index
    %get3A_10 = vector.load %arg3[%get3A_8, %get3A_9] : memref<8x128xf32, #tpu.memory_space<vmem>>, vector<8x128xf32>
    %get3A_11 = arith.constant 0 : index
    %get3A_12 = memref.load %arg1[%get3A_11] : memref<3xf32, #tpu.memory_space<smem>>
    %convert_element_type3A = arith.truncf %get3A_12 : f32 to bf16
    %convert_element_type3A_13 = arith.extf %convert_element_type3A : bf16 to f32
    %get3A_14 = arith.constant 1 : index
    %get3A_15 = memref.load %arg1[%get3A_14] : memref<3xf32, #tpu.memory_space<smem>>
    %convert_element_type3A_16 = arith.truncf %get3A_15 : f32 to bf16
    %convert_element_type3A_17 = arith.extf %convert_element_type3A_16 : bf16 to f32
    %get3A_18 = arith.constant 2 : index
    %get3A_19 = memref.load %arg1[%get3A_18] : memref<3xf32, #tpu.memory_space<smem>>
    %convert_element_type3A_20 = arith.truncf %get3A_19 : f32 to bf16
    %convert_element_type3A_21 = arith.extf %convert_element_type3A_20 : bf16 to f32
    %get3A_22 = arith.constant 0 : index
    %get3A_23 = arith.constant 0 : index
    %get3A_24 = vector.load %arg4[%get3A_22, %get3A_23] : memref<8x128xf32, #tpu.memory_space<vmem>>, vector<8x128xf32>
    %convert_element_type3A_25 = arith.truncf %get3A_24 : vector<8x128xf32> to vector<8x128xbf16>
    %convert_element_type3A_26 = arith.extf %convert_element_type3A_25 : vector<8x128xbf16> to vector<8x128xf32>
    %mul3A = vector.broadcast %convert_element_type3A_13 : f32 to vector<8x128xf32>
    %mul3A_27 = arith.mulf %convert_element_type3A_26, %mul3A : vector<8x128xf32>
    %get3A_28 = arith.constant 0 : index
    %get3A_29 = arith.constant 0 : index
    %get3A_30 = vector.load %arg5[%get3A_28, %get3A_29] : memref<8x128xf32, #tpu.memory_space<vmem>>, vector<8x128xf32>
    %convert_element_type3A_31 = arith.truncf %get3A_30 : vector<8x128xf32> to vector<8x128xbf16>
    %convert_element_type3A_32 = arith.extf %convert_element_type3A_31 : vector<8x128xbf16> to vector<8x128xf32>
    %mul3A_33 = vector.broadcast %convert_element_type3A_17 : f32 to vector<8x128xf32>
    %mul3A_34 = arith.mulf %convert_element_type3A_32, %mul3A_33 : vector<8x128xf32>
    %add3A_35 = arith.addf %mul3A_27, %mul3A_34 : vector<8x128xf32>
    %get3A_36 = arith.constant 0 : index
    %get3A_37 = arith.constant 0 : index
    %get3A_38 = vector.load %arg6[%get3A_36, %get3A_37] : memref<8x128xf32, #tpu.memory_space<vmem>>, vector<8x128xf32>
    %convert_element_type3A_39 = arith.truncf %get3A_38 : vector<8x128xf32> to vector<8x128xbf16>
    %convert_element_type3A_40 = arith.extf %convert_element_type3A_39 : vector<8x128xbf16> to vector<8x128xf32>
    %mul3A_41 = vector.broadcast %convert_element_type3A_21 : f32 to vector<8x128xf32>
    %mul3A_42 = arith.mulf %convert_element_type3A_40, %mul3A_41 : vector<8x128xf32>
    %add3A_43 = arith.addf %add3A_35, %mul3A_42 : vector<8x128xf32>
    %mul3A_44 = arith.mulf %rsqrt3A, %get3A_10 : vector<8x128xf32>
    %swap3A = arith.constant 0 : index
    %swap3A_45 = arith.constant 0 : index
    %swap3A_46 = vector.load %arg7[%swap3A, %swap3A_45] : memref<8x128xf32, #tpu.memory_space<vmem>>, vector<8x128xf32>
    tpu.vector_store %arg7[%swap3A, %swap3A_45], %mul3A_44 {strides = array<i32>} : memref<8x128xf32, #tpu.memory_space<vmem>>, vector<8x128xf32>,
    %mul3A_47 = arith.mulf %rsqrt3A, %add3A_43 : vector<8x128xf32>
    %swap3A_48 = arith.constant 0 : index
    %swap3A_49 = arith.constant 0 : index
    %swap3A_50 = vector.load %arg8[%swap3A_48, %swap3A_49] : memref<8x128xf32, #tpu.memory_space<vmem>>, vector<8x128xf32>
    tpu.vector_store %arg8[%swap3A_48, %swap3A_49], %mul3A_47 {strides = array<i32>} : memref<8x128xf32, #tpu.memory_space<vmem>>, vector<8x128xf32>,
    %mul3A_51 = arith.mulf %div3A_7, %get3A_10 : vector<8x128xf32>
    %swap3A_52 = arith.constant 0 : index
    %swap3A_53 = arith.constant 0 : index
    %swap3A_54 = vector.load %arg9[%swap3A_52, %swap3A_53] : memref<8x128xf32, #tpu.memory_space<vmem>>, vector<8x128xf32>
    tpu.vector_store %arg9[%swap3A_52, %swap3A_53], %mul3A_51 {strides = array<i32>} : memref<8x128xf32, #tpu.memory_space<vmem>>, vector<8x128xf32>,
    %mul3A_55 = arith.mulf %div3A_7, %add3A_43 : vector<8x128xf32>
    %swap3A_56 = arith.constant 0 : index
    %swap3A_57 = arith.constant 0 : index
    %swap3A_58 = vector.load %arg10[%swap3A_56, %swap3A_57] : memref<8x128xf32, #tpu.memory_space<vmem>>, vector<8x128xf32>
    tpu.vector_store %arg10[%swap3A_56, %swap3A_57], %mul3A_55 {strides = array<i32>} : memref<8x128xf32, #tpu.memory_space<vmem>>, vector<8x128xf32>,
    %swap3A_59 = arith.constant 0 : index
    %swap3A_60 = arith.constant 0 : index
    %swap3A_61 = vector.load %arg11[%swap3A_59, %swap3A_60] : memref<8x128xf32, #tpu.memory_space<vmem>>, vector<8x128xf32>
    tpu.vector_store %arg11[%swap3A_59, %swap3A_60], %rsqrt3A {strides = array<i32>} : memref<8x128xf32, #tpu.memory_space<vmem>>, vector<8x128xf32>,
    return
  }
  func.func @transform_0(%arg0: i32) -> i32 {
    %c0_i32 = arith.constant 0 : i32
    %c0_i32_0 = arith.constant 0 : i32
    return %c0_i32 : i32
  }
  func.func @transform_1(%arg0: i32) -> (i32, i32, i32) {
    %c0_i32 = arith.constant 0 : i32
    %c0_i32_0 = arith.constant 0 : i32
    %c0_i32_1 = arith.constant 0 : i32
    return %c0_i32, %arg0, %c0_i32_0 : i32, i32, i32
  }
  func.func @transform_2(%arg0: i32) -> (i32, i32) {
    %c0_i32 = arith.constant 0 : i32
    %c0_i32_0 = arith.constant 0 : i32
    return %arg0, %c0_i32 : i32, i32
  }
  func.func @transform_3(%arg0: i32) -> (i32, i32) {
    %c0_i32 = arith.constant 0 : i32
    %c0_i32_0 = arith.constant 0 : i32
    return %arg0, %c0_i32 : i32, i32
  }
  func.func @transform_4(%arg0: i32) -> (i32, i32) {
    %c0_i32 = arith.constant 0 : i32
    %c0_i32_0 = arith.constant 0 : i32
    return %arg0, %c0_i32 : i32, i32
  }
  func.func @transform_5(%arg0: i32) -> (i32, i32) {
    %c0_i32 = arith.constant 0 : i32
    %c0_i32_0 = arith.constant 0 : i32
    return %arg0, %c0_i32 : i32, i32
  }
  func.func @transform_6(%arg0: i32) -> (i32, i32) {
    %c0_i32 = arith.constant 0 : i32
    %c0_i32_0 = arith.constant 0 : i32
    return %arg0, %c0_i32 : i32, i32
  }
  func.func @transform_7(%arg0: i32) -> (i32, i32) {
    %c0_i32 = arith.constant 0 : i32
    %c0_i32_0 = arith.constant 0 : i32
    return %arg0, %c0_i32 : i32, i32
  }
  func.func @transform_8(%arg0: i32) -> (i32, i32) {
    %c0_i32 = arith.constant 0 : i32
    %c0_i32_0 = arith.constant 0 : i32
    return %arg0, %c0_i32 : i32, i32
  }
  func.func @transform_9(%arg0: i32) -> (i32, i32) {
    %c0_i32 = arith.constant 0 : i32
    %c0_i32_0 = arith.constant 0 : i32
    return %arg0, %c0_i32 : i32, i32
  }
  func.func @transform_10(%arg0: i32) -> (i32, i32) {
    %c0_i32 = arith.constant 0 : i32
    %c0_i32_0 = arith.constant 0 : i32
    return %arg0, %c0_i32 : i32, i32
  }
}

module attributes {stable_mosaic.version = 14 : i64} {
  func.func @_finish_body(%arg0: i32, %arg1: memref<10xf32, #tpu.memory_space<smem>>, %arg2: memref<2x8x3xf32, #tpu.memory_space<smem>>, %arg3: memref<32x8x128xf32, #tpu.memory_space<vmem>>, %arg4: memref<32x8x128xf32, #tpu.memory_space<vmem>>, %arg5: memref<8x128xf32, #tpu.memory_space<vmem>>, %arg6: memref<8x128xf32, #tpu.memory_space<vmem>>, %arg7: memref<8x128xf32, #tpu.memory_space<vmem>>, %arg8: memref<4x8x128xf32, #tpu.memory_space<vmem>>, %arg9: memref<2x8x128xf32, #tpu.memory_space<vmem>>, %arg10: memref<8xf32, #tpu.memory_space<smem>>, %arg11: memref<8xf32, #tpu.memory_space<smem>>) attributes {dimension_semantics = [#tpu.dimension_semantics<arbitrary>], iteration_bounds = array<i64: 10>, scalar_prefetch = 0 : i64, scratch_operands = 1 : i64, tpu.core_type = #tpu.core_type<tc>, window_params = [{transform_indices = @transform_0, window_bounds = array<i64: 10>}, {transform_indices = @transform_1, window_bounds = array<i64: 2, 8, 3>}, {transform_indices = @transform_2, window_bounds = array<i64: 32, 8, 128>}, {transform_indices = @transform_3, window_bounds = array<i64: 32, 8, 128>}, {transform_indices = @transform_4, window_bounds = array<i64: 8, 128>}, {transform_indices = @transform_5, window_bounds = array<i64: 8, 128>}, {transform_indices = @transform_6, window_bounds = array<i64: 8, 128>}, {transform_indices = @transform_7, window_bounds = array<i64: 4, 8, 128>}, {transform_indices = @transform_8, window_bounds = array<i64: 2, 8, 128>}, {transform_indices = @transform_9, window_bounds = array<i64: 8>}]} {
    %eq3A = arith.constant 0 : i32
    %eq3A_0 = arith.cmpi eq, %arg0, %eq3A : i32
    %convert_element_type3A = arith.extui %eq3A_0 : i1 to i32
    %cond3A = arith.constant 0 : i32
    %cond3A_1 = arith.cmpi ne, %convert_element_type3A, %cond3A : i32
    scf.if %cond3A_1 {
      %swap3A_150 = arith.constant 0.000000e+00 : f32
      %swap3A_151 = arith.constant 0 : index
      %swap3A_152 = memref.load %arg11[%swap3A_151] : memref<8xf32, #tpu.memory_space<smem>>
      memref.store %swap3A_150, %arg11[%swap3A_151] : memref<8xf32, #tpu.memory_space<smem>>
      %swap3A_153 = arith.constant 0.000000e+00 : f32
      %swap3A_154 = arith.constant 1 : index
      %swap3A_155 = memref.load %arg11[%swap3A_154] : memref<8xf32, #tpu.memory_space<smem>>
      memref.store %swap3A_153, %arg11[%swap3A_154] : memref<8xf32, #tpu.memory_space<smem>>
      %swap3A_156 = arith.constant 0.000000e+00 : f32
      %swap3A_157 = arith.constant 2 : index
      %swap3A_158 = memref.load %arg11[%swap3A_157] : memref<8xf32, #tpu.memory_space<smem>>
      memref.store %swap3A_156, %arg11[%swap3A_157] : memref<8xf32, #tpu.memory_space<smem>>
      %swap3A_159 = arith.constant 0.000000e+00 : f32
      %swap3A_160 = arith.constant 3 : index
      %swap3A_161 = memref.load %arg11[%swap3A_160] : memref<8xf32, #tpu.memory_space<smem>>
      memref.store %swap3A_159, %arg11[%swap3A_160] : memref<8xf32, #tpu.memory_space<smem>>
      %swap3A_162 = arith.constant 0.000000e+00 : f32
      %swap3A_163 = arith.constant 4 : index
      %swap3A_164 = memref.load %arg11[%swap3A_163] : memref<8xf32, #tpu.memory_space<smem>>
      memref.store %swap3A_162, %arg11[%swap3A_163] : memref<8xf32, #tpu.memory_space<smem>>
      %swap3A_165 = arith.constant 0.000000e+00 : f32
      %swap3A_166 = arith.constant 5 : index
      %swap3A_167 = memref.load %arg11[%swap3A_166] : memref<8xf32, #tpu.memory_space<smem>>
      memref.store %swap3A_165, %arg11[%swap3A_166] : memref<8xf32, #tpu.memory_space<smem>>
      %swap3A_168 = arith.constant 0.000000e+00 : f32
      %swap3A_169 = arith.constant 6 : index
      %swap3A_170 = memref.load %arg11[%swap3A_169] : memref<8xf32, #tpu.memory_space<smem>>
      memref.store %swap3A_168, %arg11[%swap3A_169] : memref<8xf32, #tpu.memory_space<smem>>
      %swap3A_171 = arith.constant 0.000000e+00 : f32
      %swap3A_172 = arith.constant 7 : index
      %swap3A_173 = memref.load %arg11[%swap3A_172] : memref<8xf32, #tpu.memory_space<smem>>
      memref.store %swap3A_171, %arg11[%swap3A_172] : memref<8xf32, #tpu.memory_space<smem>>
    } else {
    }
    %get3A = arith.constant 0 : index
    %get3A_2 = memref.load %arg1[%get3A] : memref<10xf32, #tpu.memory_space<smem>>
    %get3A_3 = arith.constant 1 : index
    %get3A_4 = memref.load %arg1[%get3A_3] : memref<10xf32, #tpu.memory_space<smem>>
    %get3A_5 = arith.constant 0 : index
    %get3A_6 = arith.constant 0 : index
    %get3A_7 = vector.load %arg5[%get3A_5, %get3A_6] : memref<8x128xf32, #tpu.memory_space<vmem>>, vector<8x128xf32>
    %get3A_8 = arith.constant 0 : index
    %get3A_9 = arith.constant 0 : index
    %get3A_10 = arith.constant 0 : index
    %get3A_11 = vector.load %arg3[%get3A_8, %get3A_9, %get3A_10] : memref<32x8x128xf32, #tpu.memory_space<vmem>>, vector<32x8x128xf32>
    %reduce_sum3A = arith.constant dense<0.000000e+00> : vector<8x128xf32>
    %reduce_sum3A_12 = vector.multi_reduction <add>, %get3A_11, %reduce_sum3A [0] : vector<32x8x128xf32> to vector<8x128xf32>
    %mul3A = arith.mulf %get3A_7, %reduce_sum3A_12 : vector<8x128xf32>
    %get3A_13 = arith.constant 0 : index
    %get3A_14 = arith.constant 0 : index
    %get3A_15 = vector.load %arg6[%get3A_13, %get3A_14] : memref<8x128xf32, #tpu.memory_space<vmem>>, vector<8x128xf32>
    %add3A = arith.addf %mul3A, %get3A_15 : vector<8x128xf32>
    %add3A_16 = vector.broadcast %get3A_2 : f32 to vector<8x128xf32>
    %add3A_17 = arith.addf %add3A, %add3A_16 : vector<8x128xf32>
    %convert_element_type3A_18 = arith.truncf %add3A_17 : vector<8x128xf32> to vector<8x128xbf16>
    %convert_element_type3A_19 = arith.extf %convert_element_type3A_18 : vector<8x128xbf16> to vector<8x128xf32>
    %get3A_20 = arith.constant 0 : index
    %get3A_21 = arith.constant 0 : index
    %get3A_22 = vector.load %arg5[%get3A_20, %get3A_21] : memref<8x128xf32, #tpu.memory_space<vmem>>, vector<8x128xf32>
    %get3A_23 = arith.constant 0 : index
    %get3A_24 = arith.constant 0 : index
    %get3A_25 = arith.constant 0 : index
    %get3A_26 = vector.load %arg4[%get3A_23, %get3A_24, %get3A_25] : memref<32x8x128xf32, #tpu.memory_space<vmem>>, vector<32x8x128xf32>
    %reduce_sum3A_27 = arith.constant dense<0.000000e+00> : vector<8x128xf32>
    %reduce_sum3A_28 = vector.multi_reduction <add>, %get3A_26, %reduce_sum3A_27 [0] : vector<32x8x128xf32> to vector<8x128xf32>
    %mul3A_29 = arith.mulf %get3A_22, %reduce_sum3A_28 : vector<8x128xf32>
    %get3A_30 = arith.constant 0 : index
    %get3A_31 = arith.constant 0 : index
    %get3A_32 = vector.load %arg7[%get3A_30, %get3A_31] : memref<8x128xf32, #tpu.memory_space<vmem>>, vector<8x128xf32>
    %add3A_33 = arith.addf %mul3A_29, %get3A_32 : vector<8x128xf32>
    %add3A_34 = vector.broadcast %get3A_4 : f32 to vector<8x128xf32>
    %add3A_35 = arith.addf %add3A_33, %add3A_34 : vector<8x128xf32>
    %convert_element_type3A_36 = arith.truncf %add3A_35 : vector<8x128xf32> to vector<8x128xbf16>
    %convert_element_type3A_37 = arith.extf %convert_element_type3A_36 : vector<8x128xbf16> to vector<8x128xf32>
    %get3A_38 = arith.constant 0 : index
    %get3A_39 = memref.load %arg11[%get3A_38] : memref<8xf32, #tpu.memory_space<smem>>
    %get3A_40 = arith.constant 0 : index
    %get3A_41 = arith.constant 0 : index
    %get3A_42 = arith.constant 0 : index
    %get3A_43 = vector.load %arg8[%get3A_40, %get3A_41, %get3A_42] : memref<4x8x128xf32, #tpu.memory_space<vmem>>, vector<1x8x128xf32>
    %get3A_44 = vector.shape_cast %get3A_43 : vector<1x8x128xf32> to vector<8x128xf32>
    %convert_element_type3A_45 = arith.truncf %get3A_44 : vector<8x128xf32> to vector<8x128xbf16>
    %convert_element_type3A_46 = arith.extf %convert_element_type3A_45 : vector<8x128xbf16> to vector<8x128xf32>
    %mul3A_47 = arith.mulf %convert_element_type3A_46, %convert_element_type3A_19 : vector<8x128xf32>
    %reduce_sum3A_48 = vector.shape_cast %mul3A_47 : vector<8x128xf32> to vector<1x8x128xf32>
    %reduce_sum3A_49 = arith.constant dense<0.000000e+00> : vector<1xf32>
    %reduce_sum3A_50 = vector.multi_reduction <add>, %reduce_sum3A_48, %reduce_sum3A_49 [1, 2] : vector<1x8x128xf32> to vector<1xf32>
    %reduce_sum3A_51 = vector.shape_cast %reduce_sum3A_50 : vector<1xf32> to vector<1x1x1xf32>
    %reduce_sum3A_52 = vector.extract %reduce_sum3A_51[0, 0, 0] : f32 from vector<1x1x1xf32>
    %add3A_53 = arith.addf %get3A_39, %reduce_sum3A_52 : f32
    %swap3A = arith.constant 0 : index
    %swap3A_54 = memref.load %arg11[%swap3A] : memref<8xf32, #tpu.memory_space<smem>>
    memref.store %add3A_53, %arg11[%swap3A] : memref<8xf32, #tpu.memory_space<smem>>
    %get3A_55 = arith.constant 1 : index
    %get3A_56 = memref.load %arg11[%get3A_55] : memref<8xf32, #tpu.memory_space<smem>>
    %get3A_57 = arith.constant 1 : index
    %get3A_58 = arith.constant 0 : index
    %get3A_59 = arith.constant 0 : index
    %get3A_60 = vector.load %arg8[%get3A_57, %get3A_58, %get3A_59] : memref<4x8x128xf32, #tpu.memory_space<vmem>>, vector<1x8x128xf32>
    %get3A_61 = vector.shape_cast %get3A_60 : vector<1x8x128xf32> to vector<8x128xf32>
    %convert_element_type3A_62 = arith.truncf %get3A_61 : vector<8x128xf32> to vector<8x128xbf16>
    %convert_element_type3A_63 = arith.extf %convert_element_type3A_62 : vector<8x128xbf16> to vector<8x128xf32>
    %mul3A_64 = arith.mulf %convert_element_type3A_63, %convert_element_type3A_19 : vector<8x128xf32>
    %reduce_sum3A_65 = vector.shape_cast %mul3A_64 : vector<8x128xf32> to vector<1x8x128xf32>
    %reduce_sum3A_66 = arith.constant dense<0.000000e+00> : vector<1xf32>
    %reduce_sum3A_67 = vector.multi_reduction <add>, %reduce_sum3A_65, %reduce_sum3A_66 [1, 2] : vector<1x8x128xf32> to vector<1xf32>
    %reduce_sum3A_68 = vector.shape_cast %reduce_sum3A_67 : vector<1xf32> to vector<1x1x1xf32>
    %reduce_sum3A_69 = vector.extract %reduce_sum3A_68[0, 0, 0] : f32 from vector<1x1x1xf32>
    %add3A_70 = arith.addf %get3A_56, %reduce_sum3A_69 : f32
    %swap3A_71 = arith.constant 1 : index
    %swap3A_72 = memref.load %arg11[%swap3A_71] : memref<8xf32, #tpu.memory_space<smem>>
    memref.store %add3A_70, %arg11[%swap3A_71] : memref<8xf32, #tpu.memory_space<smem>>
    %get3A_73 = arith.constant 2 : index
    %get3A_74 = memref.load %arg11[%get3A_73] : memref<8xf32, #tpu.memory_space<smem>>
    %get3A_75 = arith.constant 2 : index
    %get3A_76 = arith.constant 0 : index
    %get3A_77 = arith.constant 0 : index
    %get3A_78 = vector.load %arg8[%get3A_75, %get3A_76, %get3A_77] : memref<4x8x128xf32, #tpu.memory_space<vmem>>, vector<1x8x128xf32>
    %get3A_79 = vector.shape_cast %get3A_78 : vector<1x8x128xf32> to vector<8x128xf32>
    %convert_element_type3A_80 = arith.truncf %get3A_79 : vector<8x128xf32> to vector<8x128xbf16>
    %convert_element_type3A_81 = arith.extf %convert_element_type3A_80 : vector<8x128xbf16> to vector<8x128xf32>
    %mul3A_82 = arith.mulf %convert_element_type3A_81, %convert_element_type3A_19 : vector<8x128xf32>
    %reduce_sum3A_83 = vector.shape_cast %mul3A_82 : vector<8x128xf32> to vector<1x8x128xf32>
    %reduce_sum3A_84 = arith.constant dense<0.000000e+00> : vector<1xf32>
    %reduce_sum3A_85 = vector.multi_reduction <add>, %reduce_sum3A_83, %reduce_sum3A_84 [1, 2] : vector<1x8x128xf32> to vector<1xf32>
    %reduce_sum3A_86 = vector.shape_cast %reduce_sum3A_85 : vector<1xf32> to vector<1x1x1xf32>
    %reduce_sum3A_87 = vector.extract %reduce_sum3A_86[0, 0, 0] : f32 from vector<1x1x1xf32>
    %add3A_88 = arith.addf %get3A_74, %reduce_sum3A_87 : f32
    %swap3A_89 = arith.constant 2 : index
    %swap3A_90 = memref.load %arg11[%swap3A_89] : memref<8xf32, #tpu.memory_space<smem>>
    memref.store %add3A_88, %arg11[%swap3A_89] : memref<8xf32, #tpu.memory_space<smem>>
    %get3A_91 = arith.constant 3 : index
    %get3A_92 = memref.load %arg11[%get3A_91] : memref<8xf32, #tpu.memory_space<smem>>
    %get3A_93 = arith.constant 3 : index
    %get3A_94 = arith.constant 0 : index
    %get3A_95 = arith.constant 0 : index
    %get3A_96 = vector.load %arg8[%get3A_93, %get3A_94, %get3A_95] : memref<4x8x128xf32, #tpu.memory_space<vmem>>, vector<1x8x128xf32>
    %get3A_97 = vector.shape_cast %get3A_96 : vector<1x8x128xf32> to vector<8x128xf32>
    %convert_element_type3A_98 = arith.truncf %get3A_97 : vector<8x128xf32> to vector<8x128xbf16>
    %convert_element_type3A_99 = arith.extf %convert_element_type3A_98 : vector<8x128xbf16> to vector<8x128xf32>
    %mul3A_100 = arith.mulf %convert_element_type3A_99, %convert_element_type3A_19 : vector<8x128xf32>
    %reduce_sum3A_101 = vector.shape_cast %mul3A_100 : vector<8x128xf32> to vector<1x8x128xf32>
    %reduce_sum3A_102 = arith.constant dense<0.000000e+00> : vector<1xf32>
    %reduce_sum3A_103 = vector.multi_reduction <add>, %reduce_sum3A_101, %reduce_sum3A_102 [1, 2] : vector<1x8x128xf32> to vector<1xf32>
    %reduce_sum3A_104 = vector.shape_cast %reduce_sum3A_103 : vector<1xf32> to vector<1x1x1xf32>
    %reduce_sum3A_105 = vector.extract %reduce_sum3A_104[0, 0, 0] : f32 from vector<1x1x1xf32>
    %add3A_106 = arith.addf %get3A_92, %reduce_sum3A_105 : f32
    %swap3A_107 = arith.constant 3 : index
    %swap3A_108 = memref.load %arg11[%swap3A_107] : memref<8xf32, #tpu.memory_space<smem>>
    memref.store %add3A_106, %arg11[%swap3A_107] : memref<8xf32, #tpu.memory_space<smem>>
    %get3A_109 = arith.constant 4 : index
    %get3A_110 = memref.load %arg11[%get3A_109] : memref<8xf32, #tpu.memory_space<smem>>
    %get3A_111 = arith.constant 0 : index
    %get3A_112 = arith.constant 0 : index
    %get3A_113 = arith.constant 0 : index
    %get3A_114 = vector.load %arg9[%get3A_111, %get3A_112, %get3A_113] : memref<2x8x128xf32, #tpu.memory_space<vmem>>, vector<1x8x128xf32>
    %get3A_115 = vector.shape_cast %get3A_114 : vector<1x8x128xf32> to vector<8x128xf32>
    %convert_element_type3A_116 = arith.truncf %get3A_115 : vector<8x128xf32> to vector<8x128xbf16>
    %convert_element_type3A_117 = arith.extf %convert_element_type3A_116 : vector<8x128xbf16> to vector<8x128xf32>
    %mul3A_118 = arith.mulf %convert_element_type3A_117, %convert_element_type3A_37 : vector<8x128xf32>
    %reduce_sum3A_119 = vector.shape_cast %mul3A_118 : vector<8x128xf32> to vector<1x8x128xf32>
    %reduce_sum3A_120 = arith.constant dense<0.000000e+00> : vector<1xf32>
    %reduce_sum3A_121 = vector.multi_reduction <add>, %reduce_sum3A_119, %reduce_sum3A_120 [1, 2] : vector<1x8x128xf32> to vector<1xf32>
    %reduce_sum3A_122 = vector.shape_cast %reduce_sum3A_121 : vector<1xf32> to vector<1x1x1xf32>
    %reduce_sum3A_123 = vector.extract %reduce_sum3A_122[0, 0, 0] : f32 from vector<1x1x1xf32>
    %add3A_124 = arith.addf %get3A_110, %reduce_sum3A_123 : f32
    %swap3A_125 = arith.constant 4 : index
    %swap3A_126 = memref.load %arg11[%swap3A_125] : memref<8xf32, #tpu.memory_space<smem>>
    memref.store %add3A_124, %arg11[%swap3A_125] : memref<8xf32, #tpu.memory_space<smem>>
    %get3A_127 = arith.constant 5 : index
    %get3A_128 = memref.load %arg11[%get3A_127] : memref<8xf32, #tpu.memory_space<smem>>
    %get3A_129 = arith.constant 1 : index
    %get3A_130 = arith.constant 0 : index
    %get3A_131 = arith.constant 0 : index
    %get3A_132 = vector.load %arg9[%get3A_129, %get3A_130, %get3A_131] : memref<2x8x128xf32, #tpu.memory_space<vmem>>, vector<1x8x128xf32>
    %get3A_133 = vector.shape_cast %get3A_132 : vector<1x8x128xf32> to vector<8x128xf32>
    %convert_element_type3A_134 = arith.truncf %get3A_133 : vector<8x128xf32> to vector<8x128xbf16>
    %convert_element_type3A_135 = arith.extf %convert_element_type3A_134 : vector<8x128xbf16> to vector<8x128xf32>
    %mul3A_136 = arith.mulf %convert_element_type3A_135, %convert_element_type3A_37 : vector<8x128xf32>
    %reduce_sum3A_137 = vector.shape_cast %mul3A_136 : vector<8x128xf32> to vector<1x8x128xf32>
    %reduce_sum3A_138 = arith.constant dense<0.000000e+00> : vector<1xf32>
    %reduce_sum3A_139 = vector.multi_reduction <add>, %reduce_sum3A_137, %reduce_sum3A_138 [1, 2] : vector<1x8x128xf32> to vector<1xf32>
    %reduce_sum3A_140 = vector.shape_cast %reduce_sum3A_139 : vector<1xf32> to vector<1x1x1xf32>
    %reduce_sum3A_141 = vector.extract %reduce_sum3A_140[0, 0, 0] : f32 from vector<1x1x1xf32>
    %add3A_142 = arith.addf %get3A_128, %reduce_sum3A_141 : f32
    %swap3A_143 = arith.constant 5 : index
    %swap3A_144 = memref.load %arg11[%swap3A_143] : memref<8xf32, #tpu.memory_space<smem>>
    memref.store %add3A_142, %arg11[%swap3A_143] : memref<8xf32, #tpu.memory_space<smem>>
    %eq3A_145 = arith.constant 9 : i32
    %eq3A_146 = arith.cmpi eq, %arg0, %eq3A_145 : i32
    %convert_element_type3A_147 = arith.extui %eq3A_146 : i1 to i32
    %cond3A_148 = arith.constant 0 : i32
    %cond3A_149 = arith.cmpi ne, %convert_element_type3A_147, %cond3A_148 : i32
    scf.if %cond3A_149 {
      %get3A_150 = arith.constant 0 : index
      %get3A_151 = memref.load %arg11[%get3A_150] : memref<8xf32, #tpu.memory_space<smem>>
      %get3A_152 = arith.constant 2 : index
      %get3A_153 = memref.load %arg1[%get3A_152] : memref<10xf32, #tpu.memory_space<smem>>
      %add3A_154 = arith.addf %get3A_151, %get3A_153 : f32
      %swap3A_155 = arith.constant 0 : index
      %swap3A_156 = memref.load %arg10[%swap3A_155] : memref<8xf32, #tpu.memory_space<smem>>
      memref.store %add3A_154, %arg10[%swap3A_155] : memref<8xf32, #tpu.memory_space<smem>>
      %get3A_157 = arith.constant 1 : index
      %get3A_158 = memref.load %arg11[%get3A_157] : memref<8xf32, #tpu.memory_space<smem>>
      %get3A_159 = arith.constant 3 : index
      %get3A_160 = memref.load %arg1[%get3A_159] : memref<10xf32, #tpu.memory_space<smem>>
      %add3A_161 = arith.addf %get3A_158, %get3A_160 : f32
      %swap3A_162 = arith.constant 1 : index
      %swap3A_163 = memref.load %arg10[%swap3A_162] : memref<8xf32, #tpu.memory_space<smem>>
      memref.store %add3A_161, %arg10[%swap3A_162] : memref<8xf32, #tpu.memory_space<smem>>
      %get3A_164 = arith.constant 2 : index
      %get3A_165 = memref.load %arg11[%get3A_164] : memref<8xf32, #tpu.memory_space<smem>>
      %get3A_166 = arith.constant 4 : index
      %get3A_167 = memref.load %arg1[%get3A_166] : memref<10xf32, #tpu.memory_space<smem>>
      %add3A_168 = arith.addf %get3A_165, %get3A_167 : f32
      %swap3A_169 = arith.constant 2 : index
      %swap3A_170 = memref.load %arg10[%swap3A_169] : memref<8xf32, #tpu.memory_space<smem>>
      memref.store %add3A_168, %arg10[%swap3A_169] : memref<8xf32, #tpu.memory_space<smem>>
      %get3A_171 = arith.constant 3 : index
      %get3A_172 = memref.load %arg11[%get3A_171] : memref<8xf32, #tpu.memory_space<smem>>
      %get3A_173 = arith.constant 5 : index
      %get3A_174 = memref.load %arg1[%get3A_173] : memref<10xf32, #tpu.memory_space<smem>>
      %add3A_175 = arith.addf %get3A_172, %get3A_174 : f32
      %swap3A_176 = arith.constant 3 : index
      %swap3A_177 = memref.load %arg10[%swap3A_176] : memref<8xf32, #tpu.memory_space<smem>>
      memref.store %add3A_175, %arg10[%swap3A_176] : memref<8xf32, #tpu.memory_space<smem>>
      %get3A_178 = arith.constant 4 : index
      %get3A_179 = memref.load %arg11[%get3A_178] : memref<8xf32, #tpu.memory_space<smem>>
      %get3A_180 = arith.constant 6 : index
      %get3A_181 = memref.load %arg1[%get3A_180] : memref<10xf32, #tpu.memory_space<smem>>
      %add3A_182 = arith.addf %get3A_179, %get3A_181 : f32
      %swap3A_183 = arith.constant 4 : index
      %swap3A_184 = memref.load %arg10[%swap3A_183] : memref<8xf32, #tpu.memory_space<smem>>
      memref.store %add3A_182, %arg10[%swap3A_183] : memref<8xf32, #tpu.memory_space<smem>>
      %get3A_185 = arith.constant 5 : index
      %get3A_186 = memref.load %arg11[%get3A_185] : memref<8xf32, #tpu.memory_space<smem>>
      %get3A_187 = arith.constant 7 : index
      %get3A_188 = memref.load %arg1[%get3A_187] : memref<10xf32, #tpu.memory_space<smem>>
      %add3A_189 = arith.addf %get3A_186, %get3A_188 : f32
      %swap3A_190 = arith.constant 5 : index
      %swap3A_191 = memref.load %arg10[%swap3A_190] : memref<8xf32, #tpu.memory_space<smem>>
      memref.store %add3A_189, %arg10[%swap3A_190] : memref<8xf32, #tpu.memory_space<smem>>
      %get3A_192 = arith.constant 8 : index
      %get3A_193 = memref.load %arg1[%get3A_192] : memref<10xf32, #tpu.memory_space<smem>>
      %swap3A_194 = arith.constant 6 : index
      %swap3A_195 = memref.load %arg10[%swap3A_194] : memref<8xf32, #tpu.memory_space<smem>>
      memref.store %get3A_193, %arg10[%swap3A_194] : memref<8xf32, #tpu.memory_space<smem>>
      %get3A_196 = arith.constant 9 : index
      %get3A_197 = memref.load %arg1[%get3A_196] : memref<10xf32, #tpu.memory_space<smem>>
      %swap3A_198 = arith.constant 7 : index
      %swap3A_199 = memref.load %arg10[%swap3A_198] : memref<8xf32, #tpu.memory_space<smem>>
      memref.store %get3A_197, %arg10[%swap3A_198] : memref<8xf32, #tpu.memory_space<smem>>
    } else {
    }
    return
  }
  func.func @transform_0(%arg0: i32) -> i32 {
    %c0_i32 = arith.constant 0 : i32
    %c0_i32_0 = arith.constant 0 : i32
    return %c0_i32 : i32
  }
  func.func @transform_1(%arg0: i32) -> (i32, i32, i32) {
    %c0_i32 = arith.constant 0 : i32
    %c0_i32_0 = arith.constant 0 : i32
    %c0_i32_1 = arith.constant 0 : i32
    %c0_i32_2 = arith.constant 0 : i32
    return %c0_i32, %c0_i32_0, %c0_i32_1 : i32, i32, i32
  }
  func.func @transform_2(%arg0: i32) -> (i32, i32, i32) {
    %c0_i32 = arith.constant 0 : i32
    %c0_i32_0 = arith.constant 0 : i32
    %c0_i32_1 = arith.constant 0 : i32
    return %c0_i32, %arg0, %c0_i32_0 : i32, i32, i32
  }
  func.func @transform_3(%arg0: i32) -> (i32, i32, i32) {
    %c0_i32 = arith.constant 0 : i32
    %c0_i32_0 = arith.constant 0 : i32
    %c0_i32_1 = arith.constant 0 : i32
    return %c0_i32, %arg0, %c0_i32_0 : i32, i32, i32
  }
  func.func @transform_4(%arg0: i32) -> (i32, i32) {
    %c0_i32 = arith.constant 0 : i32
    %c0_i32_0 = arith.constant 0 : i32
    return %arg0, %c0_i32 : i32, i32
  }
  func.func @transform_5(%arg0: i32) -> (i32, i32) {
    %c0_i32 = arith.constant 0 : i32
    %c0_i32_0 = arith.constant 0 : i32
    return %arg0, %c0_i32 : i32, i32
  }
  func.func @transform_6(%arg0: i32) -> (i32, i32) {
    %c0_i32 = arith.constant 0 : i32
    %c0_i32_0 = arith.constant 0 : i32
    return %arg0, %c0_i32 : i32, i32
  }
  func.func @transform_7(%arg0: i32) -> (i32, i32, i32) {
    %c0_i32 = arith.constant 0 : i32
    %c0_i32_0 = arith.constant 0 : i32
    %c0_i32_1 = arith.constant 0 : i32
    return %c0_i32, %arg0, %c0_i32_0 : i32, i32, i32
  }
  func.func @transform_8(%arg0: i32) -> (i32, i32, i32) {
    %c0_i32 = arith.constant 0 : i32
    %c0_i32_0 = arith.constant 0 : i32
    %c0_i32_1 = arith.constant 0 : i32
    return %c0_i32, %arg0, %c0_i32_0 : i32, i32, i32
  }
  func.func @transform_9(%arg0: i32) -> i32 {
    %c0_i32 = arith.constant 0 : i32
    %c0_i32_0 = arith.constant 0 : i32
    return %c0_i32 : i32
  }
}

</mosaic_0001>

<sc_bundles>
// kernel: kernel.10.cloned.1.call-start
scs
__scs_entry_jumppad:
0x0: {  	(pc) =	sbr.rel $0x88, $3  }
0x1: {  	(tag) =	ssettag $0x0;
	lr =	simm.s32 $0x1  }
0x2: {  	[smem:$0x3F91] =	sst lr;
	_ =	strace $0xD0000000  }
0x3: {  	_ = 	snop  }
0x4: {  	_ = 	snop  }
0x5: {  	_ = 	snop  }
0x6: {  	_ = 	snop  }
0x7: {  	_ = 	snop  }
__scs_overlays_trampoline_lowered:
0x8: {  	[smem:$0x3FA0] =	sst s0  }
0x9: {  	[smem:$0x3FA1] =	sst s1  }
0xa: {  	[smem:$0x3FA2] =	sst s2  }
0xb: {  	[smem:$0x3FA3] =	sst s3  }
0xc: {  	[smem:$0x3FA4] =	sst s4  }
0xd: {  	[smem:$0x3FA5] =	sst s5  }
0xe: {  	[smem:$0x3FA6] =	sst s6  }
0xf: {  	[smem:$0x3FA7] =	sst s7  }
0x10: {  	[smem:$0x3FA8] =	sst s8  }
0x11: {  	[smem:$0x3FA9] =	sst s9;
	s0 =	simm.s32 @!p0 $0x0  }
0x12: {  	s1 =	sld [smem:$0x3F8F];
	s0 =	simm.s32 @p0 $0x1  }
0x13: {  	[smem:$0x3FAA] =	sst s0;
	s0 =	simm.s32 @!p1 $0x0  }
0x14: {  	s2 =	sld [smem:$0x3F8E];
	s0 =	simm.s32 @p1 $0x1  }
0x15: {  	[smem:$0x3FAB] =	sst s0;
	s0 =	simm.s32 @!p2 $0x0  }
0x16: {  	s3 =	sld [smem:$0x3FDB];
	s0 =	simm.s32 @p2 $0x1  }
0x17: {  	s4 =	simm.s32 $0x1BF5;
	[smem:$0x3FAD] =	sst s0  }
0x18: {  	s0 =	sld [smem:$0x3F90];
	_ =	swait.ge [sflag:s4], $0x0  }
0x19: {  	s7 =	sld [smem:$0x3F91]  }
0x1a: {  	s8 =	sadd.s32 $0xFFFFE003, lr  }
0x1b: {  	s9 =	sadd.s32 $0xFFFFFEF7, lr;
	s5 =	simm.s32 $0xFFFFFFFF;
	p2 =	slt.u32 s8, $0xFFFFF086  }
0x1c: {  	p1 =	slt.u32 s9, $0xF7A;
	s5 =	simm.s32 @!p2 $0x0  }
0x1d: {  	s5 =	simm.s32 @p1 $0x1;
	p0 =	seq.s32 s7, s2  }
0x1e: {  	s7 =	smul.u32 @!p0 $0xF7A, s2;
	p2 =	seq.s32 @!p0 s5, $0x0  }
0x1f: {  	s9 =	smul.u32 $0xF7A, s1;
	s8 =	simm.s32 @!p0 $0x1BF5;
	p2 =	por !p2, p0  }
0x20: {  	[sflag:s8] =	ssyncset.s32 @!p0 $0xFFFFF086;
	s6 =	sadd.s32 @!p0 s3, s7;
	s7 =	simm.s32 @!p0 $0x108  }
0x21: {  	s3 =	sadd.s32 s3, s9;
	s6 =	sadd.s32 @!p0 $0x88, s6;
	s7 =	simm.s32 @p2 $0x1082  }
0x22: {  	[simem:s7], [sflag:s8] =	dma.local @!p0 [hbm:s6], $0xF7A  }
0x23: {  	s9 =	sor.u32 $0xD0000000, s2;
	s6 =	simm.s32 $0x108;
	_ =	swait.ge @!p0 [sflag:s8], $0x0  }
0x24: {  	s3 =	sadd.s32 $0x88, s3;
	s6 =	simm.s32 @!p1 $0x1082;
	[sflag:s4] =	ssyncset.s32 $0xFFFFF086  }
0x25: {  	[simem:s6], [sflag:s4] =	dma.local [hbm:s3], $0xF7A  }
0x26: {  	[smem:$0x3F91] =	sst s1;
	(tag) =	ssettag s2;
	_ =	strace s9  }
0x27: {  	s1 =	sld [smem:$0x3FA1]  }
0x28: {  	s2 =	sld [smem:$0x3FA2]  }
0x29: {  	s4 =	sld [smem:$0x3FA4]  }
0x2a: {  	p0 =	seq.s32 s5, $0x0;
	s5 =	sld [smem:$0x3FA5]  }
0x2b: {  	s6 =	sld [smem:$0x3FA6]  }
0x2c: {  	s7 =	sld [smem:$0x3FA7]  }
0x2d: {  	s3 =	simm.s32 $0x108;
	s8 =	sld [smem:$0x3FA8]  }
0x2e: {  	s3 =	simm.s32 @!p0 $0x1082;
	s9 =	sld [smem:$0x3FA9]  }
0x2f: {  	lr =	sadd.s32 s0, s3;
	s0 =	sld [smem:$0x3FA0]  }
0x30: {  	s3 =	sld [smem:$0x3FA3]  }
0x31: {  	[smem:$0x3FAC] =	sst s10  }
0x32: {  	s10 =	sld [smem:$0x3FAA];
	_ =	sdelay $0x3  }
0x33: {  	p0 =	seq.s32 s10, $0x1;
	s10 =	sld [smem:$0x3FAC];
	_ =	sdelay $0x3  }
0x34: {  	[smem:$0x3FAC] =	sst s10  }
0x35: {  	s10 =	sld [smem:$0x3FAB];
	_ =	sdelay $0x3  }
0x36: {  	p1 =	seq.s32 s10, $0x1;
	s10 =	sld [smem:$0x3FAC];
	_ =	sdelay $0x3  }
0x37: {  	[smem:$0x3FAC] =	sst s10  }
0x38: {  	s10 =	sld [smem:$0x3FAD]  }
0x39: {  	_ = 	snop;
	(pc) =	sbr.ind lr, $3  }
0x3a: {  	_ = 	snop  }
0x3b: {  	_ = 	snop  }
0x3c: {  	p2 =	seq.s32 s10, $0x1;
	s10 =	sld [smem:$0x3FAC]  }
0x3d: {  	_ =	shalt  }
0x3e: {  	_ =	shalt  }
0x3f: {  	_ =	shalt  }
0x40: {  	_ =	shalt  }
0x41: {  	_ =	shalt  }
0x42: {  	_ =	shalt  }
0x43: {  	_ =	shalt  }
0x44: {  	_ =	shalt  }
0x45: {  	_ =	shalt  }
0x46: {  	_ =	shalt  }
0x47: {  	_ =	shalt  }
0x48: {  	_ =	shalt  }
0x49: {  	_ =	shalt  }
0x4a: {  	_ =	shalt  }
0x4b: {  	_ =	shalt  }
0x4c: {  	_ =	shalt  }
0x4d: {  	_ =	shalt  }
0x4e: {  	_ =	shalt  }
0x4f: {  	_ =	shalt  }
0x50: {  	_ =	shalt  }
0x51: {  	_ =	shalt  }
0x52: {  	_ =	shalt  }
0x53: {  	_ =	shalt  }
0x54: {  	_ =	shalt  }
0x55: {  	_ =	shalt  }
0x56: {  	_ =	shalt  }
0x57: {  	_ =	shalt  }
0x58: {  	_ =	shalt  }
0x59: {  	_ =	shalt  }
0x5a: {  	_ =	shalt  }
0x5b: {  	_ =	shalt  }
0x5c: {  	_ =	shalt  }
0x5d: {  	_ =	shalt  }
0x5e: {  	_ =	shalt  }
0x5f: {  	_ =	shalt  }
0x60: {  	_ =	shalt  }
0x61: {  	_ =	shalt  }
0x62: {  	_ =	shalt  }
0x63: {  	_ =	shalt  }
0x64: {  	_ =	shalt  }
0x65: {  	_ =	shalt  }
0x66: {  	_ =	shalt  }
0x67: {  	_ =	shalt  }
0x68: {  	_ =	shalt  }
0x69: {  	_ =	shalt  }
0x6a: {  	_ =	shalt  }
0x6b: {  	_ =	shalt  }
0x6c: {  	_ =	shalt  }
0x6d: {  	_ =	shalt  }
0x6e: {  	_ =	shalt  }
0x6f: {  	_ =	shalt  }
0x70: {  	_ =	shalt  }
0x71: {  	_ =	shalt  }
0x72: {  	_ =	shalt  }
0x73: {  	_ =	shalt  }
0x74: {  	_ =	shalt  }
0x75: {  	_ =	shalt  }
0x76: {  	_ =	shalt  }
0x77: {  	_ =	shalt  }
0x78: {  	_ =	shalt  }
0x79: {  	_ =	shalt  }
0x7a: {  	_ =	shalt  }
0x7b: {  	_ =	shalt  }
0x7c: {  	_ =	shalt  }
0x7d: {  	_ =	shalt  }
0x7e: {  	_ =	shalt  }
0x7f: {  	_ =	shalt  }
0x80: {  	_ =	shalt  }
0x81: {  	_ =	shalt  }
0x82: {  	_ =	shalt  }
0x83: {  	_ =	shalt  }
0x84: {  	_ =	shalt  }
0x85: {  	_ =	shalt  }
0x86: {  	_ =	shalt  }
0x87: {  	_ =	shalt  }
.Lfunc_end0:
.L_simem_size_0:
called_computation.1_lowered:
.L_overlay_start_0:
0x88: {  	s2 =	sld [smem:$0x3FD9]  }
0x89: {  	s3 =	sld [smem:$0x3FFE];
	_ =	sdelay $0x1  }
0x8a: {  	s1 =	srdreg.scid  }
0x8b: {  	s0 =	sand.u32 $0x1, s1  }
0x8c: {  	s16 =	sshll.u32 s0, $0xA;
	s2 =	sadd.s32 s3, s2  }
0x8d: {  	s2 =	sadd.s32 s2, s16  }
0x8e: {  	[smem:$0x3FB8] =	sst s2  }
0x8f: {  	_ = 	snop  }
0x90: {  	(tm) =	ssettm $0x1  }
0x91: {  	s17 =	sld [smem:$0x3FFB];
	_ =	sdelay $0x3  }
0x92: {  	_ =	strace s17  }
0x93: {  	s2 =	sld [smem:$0x3FFC];
	_ =	sdelay $0x3  }
0x94: {  	_ =	strace s2  }
0x95: {  	s2 =	sld [smem:$0x3FFD];
	_ =	sdelay $0x3  }
0x96: {  	_ =	strace s2  }
0x97: {  	_ =	strace $0x8FFFFFFF  }
0x98: {  	s18 =	sld [smem:$0x3FDB];
	_ =	sdelay $0x1  }
0x99: {  	s19 =	simm.s32 $_scs_section_size  }
0x9a: {  	s4 =	simm.s32 $_size__tile_overlayer_lowered;
	s5 =	simm.s32 $_tile_overlayer_lowered  }
0x9b: {  	s22 =	simm.s32 $0x1BFF;
	s21 =	sshll.u32 s5, $0x1;
	s2 =	sadd.s32 s19, s18  }
0x9c: {  	s6 =	simm.s32 $0x0;
	s20 =	sshll.u32 s4, $0x1;
	s4 =	sadd.s32 s21, s2  }
0x9d: {  	[timem:s6], [sflag:s22] =	dma.local [hbm:s4], s20  }
0x9e: {  	_ =	swait.ge [sflag:s22], s20  }
0x9f: {  	s3 =	ssub.s32 $0x0, s20;
	[sflag:s22] =	ssyncset.done $0x0  }
0xa0: {  	[sflag:s22] =	ssyncadd.s32 s3;
	_ =	sdelay $0x1  }
0xa1: {  	s23 =	simm.s32 $0x1B8B  }
0xa2: {  	_ =	swait.ge [sflag:s23], $0x1  }
0xa3: {  	[sflag:s23] =	ssyncset.done $0x0  }
0xa4: {  	s25 =	simm.s32 $0x1B8E;
	s24 =	sld [smem:$0x3FFE];
	[sflag:s23] =	ssyncadd.s32 $0xFFFFFFFF  }
0xa5: {  	s26 =	simm.s32 $execute0_lowered;
	[smem:$0x3FD2] =	sst s25  }
0xa6: {  	s4 =	sshll.u32 s26, $0x1;
	_ =	strace $0x80000049;
	[dreg:$0x1] =	wrdreg $0xFFFFFFFF  }
0xa7: {  	s28 =	simm.s32 $_size_execute0_lowered;
	s2 =	sadd.s32 s2, s4;
	[dreg:$0x0] =	wrdreg $0x0  }
0xa8: {  	s4 =	sshll.u32 s28, $0x1;
	[dreg:$0x2] =	wrdreg s2  }
0xa9: {  	[dreg:$0x3] =	wrdreg s4  }
0xaa: {  	[dreg:$0x4] =	wrdreg $0xC0  }
0xab: {  	_ =	task [dreg:s6], $0x5FFFF  }
0xac: {  	[dreg:$0x1] =	wrdreg $0xFFFFFFFF  }
0xad: {  	[dreg:$0x0] =	wrdreg $0x60  }
0xae: {  	[dreg:$0x2] =	wrdreg s24  }
0xaf: {  	[dreg:$0x3] =	wrdreg $0x9  }
0xb0: {  	_ =	task.clear_ibuf [dreg:s6], $0x4FFFF;
	_ =	strace $0x90000049  }
0xb1: {  	s29 =	simm.s32 $0x9;
	_ =	strace $0x8000004B  }
0xb2: {  	_ =	swait.ge [sflag:s29], $0x1  }
0xb3: {  	[sflag:s29] =	ssyncadd.s32 $0xFFFFFFFF  }
0xb4: {  	_ =	strace $0x9000004B  }
0xb5: {  	_ =	sfence  }
0xb6: {  	s30 =	sld [smem:$0x0];
	_ =	sdelay $0x2  }
0xb7: {  	s31 =	sshll.u32 s1, $0xD;
	s1 =	sshrl.u32 s1, $0x2  }
0xb8: {  	s3 =	sand.u32 $0x4000, s31;
	s1 =	sadd.s32 s1, s30  }
0xb9: {  	s0 =	sor.u32 s3, s0;
	s1 =	sshll.u32 s1, $0x11  }
0xba: {  	s0 =	sor.u32 s1, s0  }
0xbb: {  	s0 =	sadd.s32 $0x8F2B, s0  }
0xbc: {  	[sflag:s0] =	ssyncadd.remote.s32 $0x1  }
0xbd: {  	_ =	sfence.sel $0xFFFF  }
0xbe: {  	[dreg:$0x0] =	wrdreg $0xFFFFFFFF;
	(pc) =	sbr.abs _section_cstart, $3  }
0xbf: {  	[dreg:$0x1] =	wrdreg $0xFFFFFFFF  }
0xc0: {  	_ =	task.clear_ibuf [dreg:s6], $0x2FFFF;
	_ =	strace $0x9FFFFFFF  }
0xc1: {  	(tm) =	ssettm $0x7FFFFFFF  }
tec
execute0_lowered:
.L_overlay_start_1:
0x0: {  	(tag) =	ssettag $0x1  }
0x1: {  	s0 =	srdreg.scid;
	s5 =	rddreg [dreg:$0x0]  }
0x2: {  	s11 =	simm.s32 $0x2780;
	s12 =	simm.s32 $0x4F00;
	s13 =	simm.s32 $0x7700  }
0x3: {  	s14 =	simm.s32 $0x9F00;
	s15 =	simm.s32 $0xC700;
	s4 =	sand.u32 $0x1, s0  }
0x4: {  	s16 =	simm.s32 $0x80;
	s0 =	stileid.u32;
	s1 =	sshll.u32 s4, $0x4  }
0x5: {  	s17 =	simm.s32 $0x400;
	s18 =	simm.s32 $0x0;
	s2 =	sor.u32 s0, s1  }
0x6: {  	s7 =	sshll.u32 s0, $0x7;
	s30 =	ssub.s32 $0x2, s4;
	s6 =	sshrl.u32 s2, $0x3  }
0x7: {  	s4 =	sadd.s32 $0x24000, s5;
	s1 =	rddreg [dreg:$0x1];
	s6 =	smul.u32 $0x14000, s6  }
0x8: {  	s7 =	sand.u32 $0x380, s7;
	s3 =	smul.u32 $0x4E2, s2;
	s2 =	simm.s32 $0x0  }
0x9: {  	s31 =	sshrl.u32 s30, $0x1;
	[smem:$0x7FF] =	sst s2;
	s6 =	sor.u32 s7, s6  }
0xa: {  	s10 =	ssub.s32 s30, s31;
	_ =	strace $0x8000004A;
	s6 =	sshrl.u32 s6, $0x3  }
0xb: {  	s8 =	sadd.s32 s3, s5;
	s3 =	sadd.s32 $0x23A00, s5;
	s9 =	sadd.s32 s6, s5  }
0xc: {  	s5 =	sadd.s32 $0x19C00, s8;
	s6 =	sadd.s32 $0xFE00, s8;
	s7 =	sadd.s32 $0x24600, s9  }
0xd: {  	v0 =	vimm.f32 $0.0e+00;
	s8 =	sadd.s32 $0x2E600, s9;
	s9 =	smax.u32 s10, $0x1;
	s10 =	simm.s32 $0x1  }
.LBB2_1:
0xe: {  	[tilespmem:s2], [sflag:$0x1] =	stream.linear.gather [hbm4b:s5+s2], $0x2710, $0x38;
	[tilespmem:$0xEF00] =	vst v63  }
0xf: {  	_ =	swait.ge [sflag:s10], $0x2710  }
0x10: {  	[sflag:s10] =	ssyncset.done $0x0  }
0x11: {  	[sflag:s10] =	ssyncadd.s32 $0xFFFFD8F0  }
0x12: {  	[tilespmem:s11], [sflag:$0x1] =	stream.linear.gather [hbm4b:s6+s2], $0x2710, $0x38;
	[tilespmem:$0xEF00] =	vst v63  }
0x13: {  	_ =	swait.ge [sflag:s10], $0x2710  }
0x14: {  	[sflag:s10] =	ssyncset.done $0x0  }
0x15: {  	[sflag:s10] =	ssyncadd.s32 $0xFFFFD8F0  }
0x16: {  	[tilespmem:s12], [sflag:$0x1] =	stream.linear.gather [hbm4b:s3+s2], $0x2800, $0x38;
	[tilespmem:$0xEF00] =	vst v63  }
0x17: {  	_ =	swait.ge [sflag:s10], $0x2800  }
0x18: {  	[sflag:s10] =	ssyncset.done $0x0  }
0x19: {  	[sflag:s10] =	ssyncadd.s32 $0xFFFFD800  }
0x1a: {  	[tilespmem:s13], [sflag:$0x1] =	stream.linear.gather [hbm4b:s4+s2], $0x2800, $0x38;
	[tilespmem:$0xEF00] =	vst v63  }
0x1b: {  	_ =	swait.ge [sflag:s10], $0x2800  }
0x1c: {  	[sflag:s10] =	ssyncset.done $0x0  }
0x1d: {  	s19 =	simm.s32 $0x0;
	[sflag:s10] =	ssyncadd.s32 $0xFFFFD800  }
.LBB2_2:
0x1e: {  	p0 =	sne.s32 s19, $0x9FC0  }
.Ltmp0:
0x1f: {  	_ = 	snop;
	(pc) =	sbr.rel @p0 .LBB2_2-.Ltmp0, $4  }
0x20: {  	_ = 	snop  }
0x21: {  	s20 =	sshra.s32 s19, $0x2  }
0x22: {  	[tilespmem:s20+$0x9F00] =	vst v0  }
0x23: {  	s19 =	sadd.s32 $0x40, s19;
	[tilespmem:s20+$0xC700] =	vst v0  }
0x24: {  	s20 =	simm.s32 $0x0  }
0x25: {  	s19 =	simm.s32 $0x40;
	v1 =	vld [tilespmem:s20+$0x0]  }
.LBB2_4:
0x26: {  	p0 =	sne.s32 s19, $0x9C00;
	_ =	sdelay $0x4  }
0x27: {  	v2 =	vld [tilespmem:s20+$0x2780];
	_ =	sdelay $0x1  }
0x28: {  	v3 =	vld.idx.msk [tilespmem:v1+s12+$0x0], $0xffff  }
0x29: {  	v1 =	vld.idx.msk [tilespmem:v1+s13+$0x0], $0xffff;
	_ =	sdelay $0x2  }
.Ltmp1:
0x2a: {  	(pc) =	sbr.rel @p0 .LBB2_4-.Ltmp1, $4  }
0x2b: {  	_ = 	snop  }
0x2c: {  	[tilespmem:v2+s14+$0x0] =	vst.idx.add.f32.msk $0xffff, v3  }
0x2d: {  	s20 =	sshra.s32 s19, $0x2;
	[tilespmem:v2+s15+$0x0] =	vst.idx.add.f32.msk $0xffff, v1  }
0x2e: {  	s19 =	sadd.s32 $0x40, s19;
	v1 =	vld [tilespmem:s20+$0x0]  }
0x2f: {  	_ =	sdelay $0x4  }
0x30: {  	v2 =	vld [tilespmem:s20+$0x2780];
	_ =	sdelay $0x2  }
0x31: {  	v3 =	vld.idx.msk [tilespmem:v1+s12+$0x0], $0xffff  }
0x32: {  	v1 =	vld.idx.msk [tilespmem:v1+s13+$0x0], $0xffff;
	_ =	sdelay $0x3  }
0x33: {  	[tilespmem:v2+s14+$0x0] =	vst.idx.add.f32.msk $0xffff, v3  }
0x34: {  	[tilespmem:v2+s15+$0x0] =	vst.idx.add.f32.msk $0xffff, v1  }
0x35: {  	[hbm4b:s7+s16] =	stream.strided.scatter [tilespmem:s14], [sflag:$0x1], $0x2800, s17, s16, $0x38;
	[tilespmem:$0xEF00] =	vst v63  }
0x36: {  	s18 =	sadd.s32 $0x1, s18;
	_ =	swait.ge [sflag:s10], $0x2800  }
0x37: {  	p0 =	sne.s32 s18, s9;
	[sflag:s10] =	ssyncset.done $0x0  }
.Ltmp2:
0x38: {  	[sflag:s10] =	ssyncadd.s32 $0xFFFFD800;
	(pc) =	sbr.rel @p0 .LBB2_1-.Ltmp2, $4  }
0x39: {  	[hbm4b:s8+s16] =	stream.strided.scatter [tilespmem:s15], [sflag:$0x1], $0x2800, s17, s16, $0x38;
	[tilespmem:$0xEF00] =	vst v63  }
0x3a: {  	_ =	swait.ge [sflag:s10], $0x2800  }
0x3b: {  	[sflag:s10] =	ssyncset.done $0x0  }
0x3c: {  	[sflag:s10] =	ssyncadd.s32 $0xFFFFD800  }
0x3d: {  	_ =	sfence.sel $0x180000  }
0x3e: {  	[bflag:$0x0] =	sbarrier.arrive $0xFFFF  }
0x3f: {  	p0 =	sne.s32 s0, $0x0;
	_ =	strace $0x9000004A  }
0x40: {  	s0 =	sadd.s32 @!p0 $0x100000, s1;
	[bflag:$0x2] =	sbarrier.arrive $0xFFFF  }
0x41: {  	[sflag:s0] =	ssyncadd.tile.s32 @!p0 $0x1;
	_ =	shalt  }
.Lfunc_end2:
_tile_overlayer_lowered:
.L_overlay_start_2:
0x42: {  	(tag) =	ssettag $0x2  }
0x43: {  	s0 =	rddreg [dreg:$0x0];
	s2 =	stileid.u32  }
0x44: {  	s1 =	rddreg [dreg:$0x1];
	p0 =	sne.s32 s2, $0x0  }
0x45: {  	s3 =	rddreg [dreg:$0x2];
	[bflag:$0x3] =	sbarrier.arrive $0xFFFF;
	s2 =	simm.s32 @!p0 $0x1C01  }
0x46: {  	[timem:s3], [sflag:s2] =	dma.local @!p0 [hbm:s0], s1  }
0x47: {  	s0 =	simm.s32 @!p0 $0x1  }
0x48: {  	_ =	swait.ge @!p0 [sflag:s0], s1  }
0x49: {  	s1 =	ssub.s32 @!p0 $0x0, s1;
	[sflag:s0] =	ssyncset.done @!p0 $0x0  }
0x4a: {  	[sflag:s0] =	ssyncadd.s32 @!p0 s1  }
0x4b: {  	[bflag:$0x3] =	sbarrier.arrive $0xFFFF  }
0x4c: {  	_ =	shalt  }

// kernel: kernel.7.cloned.1.call-start
scs
__scs_entry_jumppad:
0x0: {  	(pc) =	sbr.rel $0x88, $3  }
0x1: {  	(tag) =	ssettag $0x0;
	lr =	simm.s32 $0x1  }
0x2: {  	[smem:$0x3F91] =	sst lr;
	_ =	strace $0xD0000000  }
0x3: {  	_ = 	snop  }
0x4: {  	_ = 	snop  }
0x5: {  	_ = 	snop  }
0x6: {  	_ = 	snop  }
0x7: {  	_ = 	snop  }
__scs_overlays_trampoline_lowered:
0x8: {  	[smem:$0x3FA0] =	sst s0  }
0x9: {  	[smem:$0x3FA1] =	sst s1  }
0xa: {  	[smem:$0x3FA2] =	sst s2  }
0xb: {  	[smem:$0x3FA3] =	sst s3  }
0xc: {  	[smem:$0x3FA4] =	sst s4  }
0xd: {  	[smem:$0x3FA5] =	sst s5  }
0xe: {  	[smem:$0x3FA6] =	sst s6  }
0xf: {  	[smem:$0x3FA7] =	sst s7  }
0x10: {  	[smem:$0x3FA8] =	sst s8  }
0x11: {  	[smem:$0x3FA9] =	sst s9;
	s0 =	simm.s32 @!p0 $0x0  }
0x12: {  	s1 =	sld [smem:$0x3F8F];
	s0 =	simm.s32 @p0 $0x1  }
0x13: {  	[smem:$0x3FAA] =	sst s0;
	s0 =	simm.s32 @!p1 $0x0  }
0x14: {  	s2 =	sld [smem:$0x3F8E];
	s0 =	simm.s32 @p1 $0x1  }
0x15: {  	[smem:$0x3FAB] =	sst s0;
	s0 =	simm.s32 @!p2 $0x0  }
0x16: {  	s3 =	sld [smem:$0x3FDB];
	s0 =	simm.s32 @p2 $0x1  }
0x17: {  	s4 =	simm.s32 $0x1BF5;
	[smem:$0x3FAD] =	sst s0  }
0x18: {  	s0 =	sld [smem:$0x3F90];
	_ =	swait.ge [sflag:s4], $0x0  }
0x19: {  	s7 =	sld [smem:$0x3F91]  }
0x1a: {  	s8 =	sadd.s32 $0xFFFFE003, lr  }
0x1b: {  	s9 =	sadd.s32 $0xFFFFFEF7, lr;
	s5 =	simm.s32 $0xFFFFFFFF;
	p2 =	slt.u32 s8, $0xFFFFF086  }
0x1c: {  	p1 =	slt.u32 s9, $0xF7A;
	s5 =	simm.s32 @!p2 $0x0  }
0x1d: {  	s5 =	simm.s32 @p1 $0x1;
	p0 =	seq.s32 s7, s2  }
0x1e: {  	s7 =	smul.u32 @!p0 $0xF7A, s2;
	p2 =	seq.s32 @!p0 s5, $0x0  }
0x1f: {  	s9 =	smul.u32 $0xF7A, s1;
	s8 =	simm.s32 @!p0 $0x1BF5;
	p2 =	por !p2, p0  }
0x20: {  	[sflag:s8] =	ssyncset.s32 @!p0 $0xFFFFF086;
	s6 =	sadd.s32 @!p0 s3, s7;
	s7 =	simm.s32 @!p0 $0x108  }
0x21: {  	s3 =	sadd.s32 s3, s9;
	s6 =	sadd.s32 @!p0 $0x88, s6;
	s7 =	simm.s32 @p2 $0x1082  }
0x22: {  	[simem:s7], [sflag:s8] =	dma.local @!p0 [hbm:s6], $0xF7A  }
0x23: {  	s9 =	sor.u32 $0xD0000000, s2;
	s6 =	simm.s32 $0x108;
	_ =	swait.ge @!p0 [sflag:s8], $0x0  }
0x24: {  	s3 =	sadd.s32 $0x88, s3;
	s6 =	simm.s32 @!p1 $0x1082;
	[sflag:s4] =	ssyncset.s32 $0xFFFFF086  }
0x25: {  	[simem:s6], [sflag:s4] =	dma.local [hbm:s3], $0xF7A  }
0x26: {  	[smem:$0x3F91] =	sst s1;
	(tag) =	ssettag s2;
	_ =	strace s9  }
0x27: {  	s1 =	sld [smem:$0x3FA1]  }
0x28: {  	s2 =	sld [smem:$0x3FA2]  }
0x29: {  	s4 =	sld [smem:$0x3FA4]  }
0x2a: {  	p0 =	seq.s32 s5, $0x0;
	s5 =	sld [smem:$0x3FA5]  }
0x2b: {  	s6 =	sld [smem:$0x3FA6]  }
0x2c: {  	s7 =	sld [smem:$0x3FA7]  }
0x2d: {  	s3 =	simm.s32 $0x108;
	s8 =	sld [smem:$0x3FA8]  }
0x2e: {  	s3 =	simm.s32 @!p0 $0x1082;
	s9 =	sld [smem:$0x3FA9]  }
0x2f: {  	lr =	sadd.s32 s0, s3;
	s0 =	sld [smem:$0x3FA0]  }
0x30: {  	s3 =	sld [smem:$0x3FA3]  }
0x31: {  	[smem:$0x3FAC] =	sst s10  }
0x32: {  	s10 =	sld [smem:$0x3FAA];
	_ =	sdelay $0x3  }
0x33: {  	p0 =	seq.s32 s10, $0x1;
	s10 =	sld [smem:$0x3FAC];
	_ =	sdelay $0x3  }
0x34: {  	[smem:$0x3FAC] =	sst s10  }
0x35: {  	s10 =	sld [smem:$0x3FAB];
	_ =	sdelay $0x3  }
0x36: {  	p1 =	seq.s32 s10, $0x1;
	s10 =	sld [smem:$0x3FAC];
	_ =	sdelay $0x3  }
0x37: {  	[smem:$0x3FAC] =	sst s10  }
0x38: {  	s10 =	sld [smem:$0x3FAD]  }
0x39: {  	_ = 	snop;
	(pc) =	sbr.ind lr, $3  }
0x3a: {  	_ = 	snop  }
0x3b: {  	_ = 	snop  }
0x3c: {  	p2 =	seq.s32 s10, $0x1;
	s10 =	sld [smem:$0x3FAC]  }
0x3d: {  	_ =	shalt  }
0x3e: {  	_ =	shalt  }
0x3f: {  	_ =	shalt  }
0x40: {  	_ =	shalt  }
0x41: {  	_ =	shalt  }
0x42: {  	_ =	shalt  }
0x43: {  	_ =	shalt  }
0x44: {  	_ =	shalt  }
0x45: {  	_ =	shalt  }
0x46: {  	_ =	shalt  }
0x47: {  	_ =	shalt  }
0x48: {  	_ =	shalt  }
0x49: {  	_ =	shalt  }
0x4a: {  	_ =	shalt  }
0x4b: {  	_ =	shalt  }
0x4c: {  	_ =	shalt  }
0x4d: {  	_ =	shalt  }
0x4e: {  	_ =	shalt  }
0x4f: {  	_ =	shalt  }
0x50: {  	_ =	shalt  }
0x51: {  	_ =	shalt  }
0x52: {  	_ =	shalt  }
0x53: {  	_ =	shalt  }
0x54: {  	_ =	shalt  }
0x55: {  	_ =	shalt  }
0x56: {  	_ =	shalt  }
0x57: {  	_ =	shalt  }
0x58: {  	_ =	shalt  }
0x59: {  	_ =	shalt  }
0x5a: {  	_ =	shalt  }
0x5b: {  	_ =	shalt  }
0x5c: {  	_ =	shalt  }
0x5d: {  	_ =	shalt  }
0x5e: {  	_ =	shalt  }
0x5f: {  	_ =	shalt  }
0x60: {  	_ =	shalt  }
0x61: {  	_ =	shalt  }
0x62: {  	_ =	shalt  }
0x63: {  	_ =	shalt  }
0x64: {  	_ =	shalt  }
0x65: {  	_ =	shalt  }
0x66: {  	_ =	shalt  }
0x67: {  	_ =	shalt  }
0x68: {  	_ =	shalt  }
0x69: {  	_ =	shalt  }
0x6a: {  	_ =	shalt  }
0x6b: {  	_ =	shalt  }
0x6c: {  	_ =	shalt  }
0x6d: {  	_ =	shalt  }
0x6e: {  	_ =	shalt  }
0x6f: {  	_ =	shalt  }
0x70: {  	_ =	shalt  }
0x71: {  	_ =	shalt  }
0x72: {  	_ =	shalt  }
0x73: {  	_ =	shalt  }
0x74: {  	_ =	shalt  }
0x75: {  	_ =	shalt  }
0x76: {  	_ =	shalt  }
0x77: {  	_ =	shalt  }
0x78: {  	_ =	shalt  }
0x79: {  	_ =	shalt  }
0x7a: {  	_ =	shalt  }
0x7b: {  	_ =	shalt  }
0x7c: {  	_ =	shalt  }
0x7d: {  	_ =	shalt  }
0x7e: {  	_ =	shalt  }
0x7f: {  	_ =	shalt  }
0x80: {  	_ =	shalt  }
0x81: {  	_ =	shalt  }
0x82: {  	_ =	shalt  }
0x83: {  	_ =	shalt  }
0x84: {  	_ =	shalt  }
0x85: {  	_ =	shalt  }
0x86: {  	_ =	shalt  }
0x87: {  	_ =	shalt  }
.Lfunc_end0:
.L_simem_size_0:
called_computation_lowered:
.L_overlay_start_0:
0x88: {  	s2 =	sld [smem:$0x3FD9]  }
0x89: {  	s3 =	sld [smem:$0x3FFE];
	_ =	sdelay $0x1  }
0x8a: {  	s1 =	srdreg.scid  }
0x8b: {  	s0 =	sand.u32 $0x1, s1  }
0x8c: {  	s16 =	sshll.u32 s0, $0xA;
	s2 =	sadd.s32 s3, s2  }
0x8d: {  	s2 =	sadd.s32 s2, s16  }
0x8e: {  	[smem:$0x3FB8] =	sst s2  }
0x8f: {  	_ = 	snop  }
0x90: {  	(tm) =	ssettm $0x1  }
0x91: {  	s17 =	sld [smem:$0x3FFB];
	_ =	sdelay $0x3  }
0x92: {  	_ =	strace s17  }
0x93: {  	s2 =	sld [smem:$0x3FFC];
	_ =	sdelay $0x3  }
0x94: {  	_ =	strace s2  }
0x95: {  	s2 =	sld [smem:$0x3FFD];
	_ =	sdelay $0x3  }
0x96: {  	_ =	strace s2  }
0x97: {  	_ =	strace $0x8FFFFFFF  }
0x98: {  	s18 =	sld [smem:$0x3FDB];
	_ =	sdelay $0x1  }
0x99: {  	s19 =	simm.s32 $_scs_section_size  }
0x9a: {  	s4 =	simm.s32 $_size__tile_overlayer_lowered;
	s5 =	simm.s32 $_tile_overlayer_lowered  }
0x9b: {  	s22 =	simm.s32 $0x1BFF;
	s21 =	sshll.u32 s5, $0x1;
	s2 =	sadd.s32 s19, s18  }
0x9c: {  	s6 =	simm.s32 $0x0;
	s20 =	sshll.u32 s4, $0x1;
	s4 =	sadd.s32 s21, s2  }
0x9d: {  	[timem:s6], [sflag:s22] =	dma.local [hbm:s4], s20  }
0x9e: {  	_ =	swait.ge [sflag:s22], s20  }
0x9f: {  	s3 =	ssub.s32 $0x0, s20;
	[sflag:s22] =	ssyncset.done $0x0  }
0xa0: {  	[sflag:s22] =	ssyncadd.s32 s3;
	_ =	sdelay $0x1  }
0xa1: {  	s23 =	simm.s32 $0x1B8B  }
0xa2: {  	_ =	swait.ge [sflag:s23], $0x1  }
0xa3: {  	[sflag:s23] =	ssyncset.done $0x0  }
0xa4: {  	s25 =	simm.s32 $0x1B8E;
	s24 =	sld [smem:$0x3FFE];
	[sflag:s23] =	ssyncadd.s32 $0xFFFFFFFF  }
0xa5: {  	s26 =	simm.s32 $execute0_lowered;
	[smem:$0x3FD2] =	sst s25  }
0xa6: {  	s4 =	sshll.u32 s26, $0x1;
	_ =	strace $0x80000046;
	[dreg:$0x1] =	wrdreg $0xFFFFFFFF  }
0xa7: {  	s28 =	simm.s32 $_size_execute0_lowered;
	s2 =	sadd.s32 s2, s4;
	[dreg:$0x0] =	wrdreg $0x0  }
0xa8: {  	s4 =	sshll.u32 s28, $0x1;
	[dreg:$0x2] =	wrdreg s2  }
0xa9: {  	[dreg:$0x3] =	wrdreg s4  }
0xaa: {  	[dreg:$0x4] =	wrdreg $0xC0  }
0xab: {  	_ =	task [dreg:s6], $0x5FFFF  }
0xac: {  	[dreg:$0x1] =	wrdreg $0xFFFFFFFF  }
0xad: {  	[dreg:$0x0] =	wrdreg $0x60  }
0xae: {  	[dreg:$0x2] =	wrdreg s24  }
0xaf: {  	[dreg:$0x3] =	wrdreg $0x9  }
0xb0: {  	_ =	task.clear_ibuf [dreg:s6], $0x4FFFF;
	_ =	strace $0x90000046  }
0xb1: {  	s29 =	simm.s32 $0x9;
	_ =	strace $0x80000048  }
0xb2: {  	_ =	swait.ge [sflag:s29], $0x1  }
0xb3: {  	[sflag:s29] =	ssyncadd.s32 $0xFFFFFFFF  }
0xb4: {  	_ =	strace $0x90000048  }
0xb5: {  	_ =	sfence  }
0xb6: {  	s30 =	sld [smem:$0x0];
	_ =	sdelay $0x2  }
0xb7: {  	s31 =	sshll.u32 s1, $0xD;
	s1 =	sshrl.u32 s1, $0x2  }
0xb8: {  	s3 =	sand.u32 $0x4000, s31;
	s1 =	sadd.s32 s1, s30  }
0xb9: {  	s0 =	sor.u32 s3, s0;
	s1 =	sshll.u32 s1, $0x11  }
0xba: {  	s0 =	sor.u32 s1, s0  }
0xbb: {  	s0 =	sadd.s32 $0x8F2B, s0  }
0xbc: {  	[sflag:s0] =	ssyncadd.remote.s32 $0x1  }
0xbd: {  	_ =	sfence.sel $0xFFFF  }
0xbe: {  	[dreg:$0x0] =	wrdreg $0xFFFFFFFF;
	(pc) =	sbr.abs _section_cstart, $3  }
0xbf: {  	[dreg:$0x1] =	wrdreg $0xFFFFFFFF  }
0xc0: {  	_ =	task.clear_ibuf [dreg:s6], $0x2FFFF;
	_ =	strace $0x9FFFFFFF  }
0xc1: {  	(tm) =	ssettm $0x7FFFFFFF  }
tec
execute0_lowered:
.L_overlay_start_1:
0x0: {  	(tag) =	ssettag $0x1  }
0x1: {  	s0 =	srdreg.scid  }
0x2: {  	s5 =	rddreg [dreg:$0x0];
	s3 =	sand.u32 $0x1, s0  }
0x3: {  	s2 =	simm.s32 $0x0;
	s0 =	stileid.u32;
	s1 =	sshll.u32 s3, $0x4  }
0x4: {  	s8 =	simm.s32 $0x80;
	s9 =	simm.s32 $0x400;
	s4 =	sor.u32 s0, s1  }
0x5: {  	s10 =	simm.s32 $0x0;
	[smem:$0x7FF] =	sst s2;
	s1 =	sshrl.u32 s4, $0x3  }
0x6: {  	s7 =	sshll.u32 s0, $0x7;
	s3 =	ssub.s32 $0x2, s3;
	s6 =	smul.u32 $0x14000, s1  }
0x7: {  	s7 =	sand.u32 $0x380, s7;
	s31 =	sshrl.u32 s3, $0x1;
	s4 =	smul.u32 $0x4E2, s4  }
0x8: {  	s1 =	rddreg [dreg:$0x1];
	_ =	strace $0x80000047;
	s6 =	sor.u32 s7, s6  }
0x9: {  	s4 =	sadd.s32 s4, s5;
	s7 =	simm.s32 $0x2780;
	s6 =	sshrl.u32 s6, $0x3  }
0xa: {  	s5 =	sadd.s32 s6, s5;
	s6 =	ssub.s32 s3, s31;
	s3 =	sadd.s32 $0xFE00, s4  }
0xb: {  	v0 =	vimm.f32 $0.0e+00;
	v1 =	vimm.f32 $1.000000000e+00;
	s4 =	sadd.s32 $0x23A00, s5;
	s5 =	smax.u32 s6, $0x1;
	s6 =	simm.s32 $0x1  }
.LBB2_1:
0xc: {  	[tilespmem:s2], [sflag:$0x1] =	stream.linear.gather [hbm4b:s3+s2], $0x2710, $0x38;
	[tilespmem:$0x4F80] =	vst v63  }
0xd: {  	_ =	swait.ge [sflag:s6], $0x2710  }
0xe: {  	[sflag:s6] =	ssyncset.done $0x0  }
0xf: {  	s11 =	simm.s32 $0x0;
	[sflag:s6] =	ssyncadd.s32 $0xFFFFD8F0  }
.LBB2_2:
0x10: {  	p0 =	sne.s32 s11, $0x9FC0  }
.Ltmp0:
0x11: {  	_ = 	snop;
	(pc) =	sbr.rel @p0 .LBB2_2-.Ltmp0, $3  }
0x12: {  	_ =	sdelay $0x1  }
0x13: {  	s12 =	sshra.s32 s11, $0x2  }
0x14: {  	s11 =	sadd.s32 $0x40, s11;
	[tilespmem:s12+$0x2780] =	vst v0  }
0x15: {  	s12 =	simm.s32 $0x0;
	s11 =	simm.s32 $0x40  }
.LBB2_4:
0x16: {  	p0 =	sne.s32 s11, $0x9C00;
	v2 =	vld [tilespmem:s12+$0x0];
	_ =	sdelay $0x3  }
.Ltmp1:
0x17: {  	(pc) =	sbr.rel @p0 .LBB2_4-.Ltmp1, $2  }
0x18: {  	_ =	sdelay $0x2  }
0x19: {  	s12 =	sshra.s32 s11, $0x2;
	s11 =	sadd.s32 $0x40, s11;
	[tilespmem:v2+s7+$0x0] =	vst.idx.add.f32.msk $0xffff, v1  }
0x1a: {  	v2 =	vld [tilespmem:s12+$0x0];
	_ =	sdelay $0x5  }
0x1b: {  	s10 =	sadd.s32 $0x1, s10  }
0x1c: {  	p0 =	sne.s32 s10, s5  }
.Ltmp2:
0x1d: {  	[tilespmem:v2+s7+$0x0] =	vst.idx.add.f32.msk $0xffff, v1;
	(pc) =	sbr.rel @p0 .LBB2_1-.Ltmp2, $4  }
0x1e: {  	[hbm4b:s4+s8] =	stream.strided.scatter [tilespmem:s7], [sflag:$0x1], $0x2800, s9, s8, $0x38;
	[tilespmem:$0x4F80] =	vst v63  }
0x1f: {  	_ =	swait.ge [sflag:s6], $0x2800  }
0x20: {  	[sflag:s6] =	ssyncset.done $0x0  }
0x21: {  	[sflag:s6] =	ssyncadd.s32 $0xFFFFD800  }
0x22: {  	_ =	sfence.sel $0x180000  }
0x23: {  	[bflag:$0x0] =	sbarrier.arrive $0xFFFF  }
0x24: {  	p0 =	sne.s32 s0, $0x0;
	_ =	strace $0x90000047  }
0x25: {  	s0 =	sadd.s32 @!p0 $0x100000, s1;
	[bflag:$0x2] =	sbarrier.arrive $0xFFFF  }
0x26: {  	[sflag:s0] =	ssyncadd.tile.s32 @!p0 $0x1;
	_ =	shalt  }
.Lfunc_end2:
_tile_overlayer_lowered:
.L_overlay_start_2:
0x27: {  	(tag) =	ssettag $0x2  }
0x28: {  	s0 =	rddreg [dreg:$0x0];
	s2 =	stileid.u32  }
0x29: {  	s1 =	rddreg [dreg:$0x1];
	p0 =	sne.s32 s2, $0x0  }
0x2a: {  	s3 =	rddreg [dreg:$0x2];
	[bflag:$0x3] =	sbarrier.arrive $0xFFFF;
	s2 =	simm.s32 @!p0 $0x1C01  }
0x2b: {  	[timem:s3], [sflag:s2] =	dma.local @!p0 [hbm:s0], s1  }
0x2c: {  	s0 =	simm.s32 @!p0 $0x1  }
0x2d: {  	_ =	swait.ge @!p0 [sflag:s0], s1  }
0x2e: {  	s1 =	ssub.s32 @!p0 $0x0, s1;
	[sflag:s0] =	ssyncset.done @!p0 $0x0  }
0x2f: {  	[sflag:s0] =	ssyncadd.s32 @!p0 s1  }
0x30: {  	[bflag:$0x3] =	sbarrier.arrive $0xFFFF  }
0x31: {  	_ =	shalt  }

</sc_bundles>
